<compile_context>
chip_gen: v7x
topology: tpu7x:2x2x1
jax: 0.10.2.dev20260603
libtpu: 0.0.44.dev20260713+nightly
codegen_flags: <defaults>
</compile_context>

<pallas_src>
import jax
import jax.numpy as jnp
from jax import lax
from jax.experimental import pallas as pl
from jax.experimental.pallas import tpu as pltpu
from jax.experimental.pallas import tpu_sc as plsc

N_TOK = 32768
B_SEG = 16
LANES = 16
NUM_TILES = 16
CHUNK = N_TOK // NUM_TILES
NV = CHUNK // LANES
MAX_PRUNED = 18


def _sparsemax_body(x_hbm, b_hbm, out_hbm, xv, sv, ov, xk, tau, pc,
                    iota_v, shacc, accl, zv, act, shmax, mread, pmaxb,
                    midx, sem1, sem2):
    def sload(ref, idx):
        return ref[pl.ds(idx, LANES)][0]
    wid = lax.axis_index("s")
    base = wid * CHUNK
    cp1 = pltpu.async_copy(x_hbm.at[pl.ds(base, CHUNK)], xv, sem1)
    cp2 = pltpu.async_copy(b_hbm.at[pl.ds(base, CHUNK)],
                           sv.at[pl.ds(0, CHUNK)], sem2)

    tau[pl.ds(0, LANES)] = jnp.zeros((LANES,), jnp.float32)
    iota_v[pl.ds(0, LANES)] = lax.iota(jnp.int32, LANES)
    iota_v[pl.ds(LANES, LANES)] = lax.iota(jnp.int32, LANES) + LANES
    zeros = jnp.zeros((LANES,), jnp.float32)
    izeros = jnp.zeros((LANES,), jnp.int32)
    lane = lax.iota(jnp.int32, LANES)

    @pl.when(wid == 0)
    def _():
        zv[pl.ds(0, LANES)] = zeros
        zv[pl.ds(LANES, LANES)] = zeros
        pltpu.sync_copy(zv, shacc)
        for _t in range(NUM_TILES):
            mread[pl.ds(_t * LANES, LANES)] = zeros
        pltpu.sync_copy(mread, shmax)

    cp1.wait()
    cp2.wait()

    @pl.when(wid == NUM_TILES - 1)
    def _():
        sv[pl.ds(CHUNK, LANES)] = jnp.full((LANES,), B_SEG, jnp.int32)

    @pl.when(wid < NUM_TILES - 1)
    def _():
        pltpu.sync_copy(b_hbm.at[pl.ds(base + CHUNK, LANES)],
                        sv.at[pl.ds(CHUNK, LANES)])

    plsc.subcore_barrier()

    def reduce_and_update(prev_s, prev_c):
        pltpu.sync_copy(pc, shacc.at[iota_v], add=True)
        plsc.subcore_barrier()
        pltpu.sync_copy(shacc, accl)
        s_acc = accl[pl.ds(0, LANES)]
        c_acc = accl[pl.ds(LANES, LANES)]
        tau_new = (s_acc - prev_s - 1.0) / jnp.maximum(c_acc - prev_c, 1.0)
        return s_acc, c_acc, tau_new

    pc[pl.ds(0, LANES)] = zeros
    pc[pl.ds(LANES, LANES)] = zeros

    def scan_bounds(i, carry2):
        off = i * LANES
        seg = sv[pl.ds(off, LANES)]
        segn = sv[pl.ds(off + 1, LANES)]
        mb = seg != segn
        pos = (base + off + 1) + lane
        plsc.addupdate_scatter(pc, [seg + LANES], pos.astype(jnp.float32),
                               mask=mb)
        return carry2

    lax.fori_loop(0, NV, scan_bounds, 0, unroll=8)
    s_acc, c_acc, _ = reduce_and_update(zeros, zeros)
    plsc.subcore_barrier()

    cum_inc = plsc.cummax(c_acc)
    zv[pl.ds(0, LANES)] = zeros
    zv[pl.ds(1, LANES)] = cum_inc
    cum_exc = zv[pl.ds(0, LANES)]
    lo_g = cum_exc.astype(jnp.int32) - base
    hi_g = cum_inc.astype(jnp.int32) - base
    lo_cl = jnp.clip(lo_g, 0, CHUNK)
    hi_cl = jnp.clip(hi_g, 0, CHUNK)
    nonempty = hi_cl > lo_cl
    plsc.store_compressed(act.at[pl.ds(0, LANES)], lane, mask=nonempty)
    plsc.store_compressed(act.at[pl.ds(LANES, LANES)], lo_cl, mask=nonempty)
    plsc.store_compressed(act.at[pl.ds(2 * LANES, LANES)], hi_cl,
                          mask=nonempty)
    n_act = plsc.all_reduce_population_count(nonempty)[0]

    def range_max(j, pmax_v):
        s = sload(act, j)
        lo = sload(act, LANES + j)
        hi = sload(act, 2 * LANES + j)

        def inner(k, mx):
            off = k * LANES
            vx = xv[pl.ds(off, LANES)]
            gi = off + lane
            m = jnp.logical_and(gi >= lo, gi < hi)
            return jnp.maximum(mx, jnp.where(m, vx, -3.0e38))

        mx = lax.fori_loop(lo // LANES, (hi + LANES - 1) // LANES, inner,
                           jnp.full((LANES,), -3.0e38, jnp.float32))
        mxs = jnp.max(mx)
        return jnp.where(lane == s, zeros + (mxs + 1024.0), pmax_v)

    pmaxb[...] = lax.fori_loop(0, n_act, range_max, zeros)
    midx[...] = wid * LANES + lane
    pltpu.sync_copy(pmaxb, shmax.at[midx], add=True)
    plsc.subcore_barrier()
    pltpu.sync_copy(shmax, mread)
    mx_s = mread[pl.ds(0, LANES)]
    for _t in range(1, NUM_TILES):
        mx_s = jnp.maximum(mx_s, mread[pl.ds(_t * LANES, LANES)])
    tau_new = mx_s - 1025.0
    tau[pl.ds(0, LANES)] = tau_new

    pc[pl.ds(0, LANES)] = zeros
    pc[pl.ds(LANES, LANES)] = zeros

    lane0 = lane == 0

    def range_iter1(j, carry):
        cursor, klo_v, khi_v = carry
        s = sload(act, j)
        lo = sload(act, LANES + j)
        hi = sload(act, 2 * LANES + j)
        tau_b = zeros + sload(tau, s)
        klo_v = jnp.where(lane == j, izeros + cursor, klo_v)

        def inner(k, carry3):
            cur, s_v, c_v = carry3
            off = k * LANES
            vx = xv[pl.ds(off, LANES)]
            gi = off + lane
            m = jnp.logical_and(
                jnp.logical_and(gi >= lo, gi < hi), vx > tau_b)
            plsc.store_compressed(xk.at[pl.ds(cur, LANES)], vx, mask=m)
            s_v = s_v + jnp.where(m, vx, 0.0)
            c_v = c_v + m.astype(jnp.int32)
            return (cur + plsc.all_reduce_population_count(m)[0], s_v, c_v)

        cursor, s_v, c_v = lax.fori_loop(
            lo // LANES, (hi + LANES - 1) // LANES, inner,
            (cursor, zeros, izeros))
        plsc.addupdate_scatter(pc, [izeros + s], zeros + jnp.sum(s_v),
                               mask=lane0)
        plsc.addupdate_scatter(pc, [izeros + (LANES + s)],
                               zeros + jnp.sum(c_v).astype(jnp.float32),
                               mask=lane0)
        khi_v = jnp.where(lane == j, izeros + cursor, khi_v)
        return (cursor, klo_v, khi_v)

    _, klo_v, khi_v = lax.fori_loop(0, n_act, range_iter1,
                                    (0, izeros, izeros))
    act[pl.ds(3 * LANES, LANES)] = klo_v
    act[pl.ds(4 * LANES, LANES)] = khi_v
    s_acc, c_acc, tau_new = reduce_and_update(s_acc, c_acc)
    tau[pl.ds(0, LANES)] = tau_new
    plsc.subcore_barrier()

    def range_pruned(j, carry2):
        s = sload(act, j)
        klo = sload(act, 3 * LANES + j)
        khi = sload(act, 4 * LANES + j)
        tau_b = zeros + sload(tau, s)

        def inner(k, carry3):
            s_v, c_v = carry3
            off = k * LANES
            vx = xk[pl.ds(off, LANES)]
            gi = off + lane
            m = jnp.logical_and(
                jnp.logical_and(gi >= klo, gi < khi), vx > tau_b)
            return (s_v + jnp.where(m, vx, 0.0), c_v + m.astype(jnp.int32))

        s_v, c_v = lax.fori_loop(
            klo // LANES, (khi + LANES - 1) // LANES, inner, (zeros, izeros))
        plsc.addupdate_scatter(pc, [izeros + s], zeros + jnp.sum(s_v),
                               mask=lane0)
        plsc.addupdate_scatter(pc, [izeros + (LANES + s)],
                               zeros + jnp.sum(c_v).astype(jnp.float32),
                               mask=lane0)
        return carry2

    def pruned_cond(carry):
        _, _, t, done = carry
        return jnp.logical_and(t < MAX_PRUNED, jnp.logical_not(done))

    def pruned_iter(carry):
        prev_s2, prev_c2, t, _ = carry
        pc[pl.ds(0, LANES)] = zeros
        pc[pl.ds(LANES, LANES)] = zeros
        lax.fori_loop(0, n_act, range_pruned, 0)
        tau_old = tau[pl.ds(0, LANES)]
        s_acc2, c_acc2, tau_new2 = reduce_and_update(prev_s2, prev_c2)
        done = jnp.logical_not(jnp.any(tau_new2 != tau_old))
        tau[pl.ds(0, LANES)] = tau_new2
        plsc.subcore_barrier()
        return (s_acc2, c_acc2, t + 1, done)

    lax.while_loop(pruned_cond, pruned_iter,
                   (s_acc, c_acc, 0, jnp.bool_(False)))

    def range_out(j, carry2):
        s = sload(act, j)
        lo = sload(act, LANES + j)
        hi = sload(act, 2 * LANES + j)
        tau_b = zeros + sload(tau, s)

        def inner(k, carry3):
            off = k * LANES
            vx = xv[pl.ds(off, LANES)]
            gi = off + lane
            m = jnp.logical_and(gi >= lo, gi < hi)
            res = jnp.maximum(vx - tau_b, 0.0)
            ov[pl.ds(off, LANES)] = jnp.where(m, res, ov[pl.ds(off, LANES)])
            return carry3

        lax.fori_loop(lo // LANES, (hi + LANES - 1) // LANES, inner, 0)
        return carry2

    lax.fori_loop(0, n_act, range_out, 0)
    pltpu.sync_copy(ov, out_hbm.at[pl.ds(base, CHUNK)])


@jax.jit
def _sparsemax_sc(x, batch):
    mesh = plsc.VectorSubcoreMesh(
        core_axis_name="c", subcore_axis_name="s", num_cores=1,
        num_subcores=NUM_TILES,
    )
    return pl.kernel(
        _sparsemax_body,
        out_type=jax.ShapeDtypeStruct((N_TOK,), jnp.float32),
        mesh=mesh,
        compiler_params=pltpu.CompilerParams(needs_layout_passes=False),
        scratch_types=[
            pltpu.VMEM((CHUNK,), jnp.float32),
            pltpu.VMEM((CHUNK + LANES,), jnp.int32),
            pltpu.VMEM((CHUNK,), jnp.float32),
            pltpu.VMEM((CHUNK + LANES,), jnp.float32),
            pltpu.VMEM((LANES,), jnp.float32),
            pltpu.VMEM((2 * B_SEG,), jnp.float32),
            pltpu.VMEM((2 * B_SEG,), jnp.int32),
            pltpu.VMEM_SHARED((2 * B_SEG,), jnp.float32),
            pltpu.VMEM((2 * B_SEG,), jnp.float32),
            pltpu.VMEM((2 * B_SEG,), jnp.float32),
            pltpu.VMEM((6 * LANES,), jnp.int32),
            pltpu.VMEM_SHARED((NUM_TILES * LANES,), jnp.float32),
            pltpu.VMEM((NUM_TILES * LANES,), jnp.float32),
            pltpu.VMEM((LANES,), jnp.float32),
            pltpu.VMEM((LANES,), jnp.int32),
            pltpu.SemaphoreType.DMA,
            pltpu.SemaphoreType.DMA,
        ],
    )(x, batch)


def kernel(x, batch):
    return _sparsemax_sc(x, batch.astype(jnp.int32))

# --- scband reference (transcript-rebuilt; emitter-appended) ---
"""Pipeline reference for scband-sparsemax-37580963840005 (READ-ONLY COPY).

The authoritative reference and input builder live on the scoring server;
editing this copy changes nothing except your own understanding.
"""

import jax, jax.numpy as jnp
import numpy as np

NUM_SEGMENTS = 16
N_TOKENS = 32768
FILL = -1e16


def setup_inputs(seed: int = 0):
    key = jax.random.key(seed)
    k1, k2 = jax.random.split(key)
    x = jax.random.normal(k1, (N_TOKENS,), dtype=jnp.float32)
    batch = jnp.sort(jax.random.randint(k2, (N_TOKENS,), 0, NUM_SEGMENTS)).astype(jnp.int64)
    return {"x": x, "batch": batch}


def reference(x, batch):
    B = NUM_SEGMENTS
    N = x.shape[0]
    num_nodes = jnp.bincount(batch, length=B)
    cum = jnp.concatenate([jnp.zeros((1,), dtype=num_nodes.dtype), jnp.cumsum(num_nodes)[:-1]])
    # per-segment max subtraction (equivalent to torch loop computing max per segment)
    max_val = jax.ops.segment_max(x, batch, num_segments=B)
    xs = x - max_val[batch]
    # scatter_sort: densify per-segment, sort descending, cumsum
    maxn = N
    index = jnp.arange(N) - cum[batch] + batch * maxn
    dense = jnp.full((B * maxn,), FILL, dtype=xs.dtype).at[index].set(xs)
    dense = dense.reshape(B, maxn)
    sorted_x = -jnp.sort(-dense, axis=-1)  # descending sort
    cumsum_x = jnp.cumsum(sorted_x, axis=-1)
    # valid (non-fill) entries occupy the first num_nodes[r] slots of each row;
    # since batch is sorted, `index` enumerates exactly those flat positions in order
    sorted_valid = sorted_x.reshape(-1)[index]
    cumsum_valid = cumsum_x.reshape(-1)[index] - 1.0
    # rhos = per-segment 1..n_i (equivalent to _make_ix_like)
    rhos = (jnp.arange(N) - cum[batch] + 1).astype(xs.dtype)
    support = rhos * sorted_valid > cumsum_valid
    support_size = jax.ops.segment_sum(support.astype(jnp.int32), batch, num_segments=B)
    idx = support_size.astype(cum.dtype) + cum - 1
    idx = jnp.where(idx < 0, 0, idx)
    tau = cumsum_valid[idx] / support_size.astype(xs.dtype)
    output = jnp.clip(xs - tau[batch], 0.0, None)
    return output

if __name__ == "__main__":
    import jax
    _d = setup_inputs()
    print(jax.jit(kernel)(*tuple(_d.values())))

</pallas_src>

<mosaic_0001>
#map = affine_map<(d0, d1) -> (0)>
module attributes {stable_mosaic.version = 14 : i64} {
  func.func @_sparsemax_body(%arg0: i32, %arg1: i32, %arg2: memref<32768xf32, #tpu.memory_space<hbm>>, %arg3: memref<32768xi32, #tpu.memory_space<hbm>>, %arg4: memref<32768xf32, #tpu.memory_space<hbm>>, %arg5: memref<2048xf32, #tpu.memory_space<vmem>>, %arg6: memref<2064xi32, #tpu.memory_space<vmem>>, %arg7: memref<2048xf32, #tpu.memory_space<vmem>>, %arg8: memref<2064xf32, #tpu.memory_space<vmem>>, %arg9: memref<16xf32, #tpu.memory_space<vmem>>, %arg10: memref<32xf32, #tpu.memory_space<vmem>>, %arg11: memref<32xi32, #tpu.memory_space<vmem>>, %arg12: memref<32xf32, #tpu.memory_space<vmem_shared>>, %arg13: memref<32xf32, #tpu.memory_space<vmem>>, %arg14: memref<32xf32, #tpu.memory_space<vmem>>, %arg15: memref<96xi32, #tpu.memory_space<vmem>>, %arg16: memref<256xf32, #tpu.memory_space<vmem_shared>>, %arg17: memref<256xf32, #tpu.memory_space<vmem>>, %arg18: memref<16xf32, #tpu.memory_space<vmem>>, %arg19: memref<16xi32, #tpu.memory_space<vmem>>, %arg20: memref<!tpu.dma_semaphore, #tpu.memory_space<semaphore_mem>>, %arg21: memref<!tpu.dma_semaphore, #tpu.memory_space<semaphore_mem>>) attributes {dimension_semantics = [#tpu.dimension_semantics<core_parallel>, #tpu.dimension_semantics<subcore_parallel>], iteration_bounds = array<i64: 1, 16>, scalar_prefetch = 0 : i64, scratch_operands = 17 : i64, tpu.core_type = #tpu.core_type<sc_vector_subcore>, window_params = [{transform_indices = #map}, {transform_indices = #map}, {transform_indices = #map}]} {
    %mul3A = arith.constant 2048 : i32
    %mul3A_0 = arith.muli %arg1, %mul3A : i32
    %dma_start3A = tpu.memref_slice %arg2[%mul3A_0] : memref<32768xf32, #tpu.memory_space<hbm>> -> memref<2048xf32, #tpu.memory_space<hbm>>
    %dma_start3A_1 = tpu.memref_slice %arg2[%mul3A_0] : memref<32768xf32, #tpu.memory_space<hbm>> -> memref<2048xf32, #tpu.memory_space<hbm>>
    tpu.enqueue_dma source(%dma_start3A_1 : memref<2048xf32, #tpu.memory_space<hbm>>) target(%arg5 : memref<2048xf32, #tpu.memory_space<vmem>>) target_semaphore(%arg20 : memref<!tpu.dma_semaphore, #tpu.memory_space<semaphore_mem>>)
    %dma_start3A_2 = arith.constant 0 : i32
    %dma_start3A_3 = tpu.memref_slice %arg6[%dma_start3A_2] : memref<2064xi32, #tpu.memory_space<vmem>> -> memref<2048xi32, #tpu.memory_space<vmem>>
    %dma_start3A_4 = tpu.memref_slice %arg3[%mul3A_0] : memref<32768xi32, #tpu.memory_space<hbm>> -> memref<2048xi32, #tpu.memory_space<hbm>>
    %dma_start3A_5 = arith.constant 0 : i32
    %dma_start3A_6 = tpu.memref_slice %arg6[%dma_start3A_5] : memref<2064xi32, #tpu.memory_space<vmem>> -> memref<2048xi32, #tpu.memory_space<vmem>>
    %dma_start3A_7 = tpu.memref_slice %arg3[%mul3A_0] : memref<32768xi32, #tpu.memory_space<hbm>> -> memref<2048xi32, #tpu.memory_space<hbm>>
    tpu.enqueue_dma source(%dma_start3A_7 : memref<2048xi32, #tpu.memory_space<hbm>>) target(%dma_start3A_6 : memref<2048xi32, #tpu.memory_space<vmem>>) target_semaphore(%arg21 : memref<!tpu.dma_semaphore, #tpu.memory_space<semaphore_mem>>)
    %broadcast_in_dim3A = arith.constant 0.000000e+00 : f32
    %broadcast_in_dim3A_8 = vector.broadcast %broadcast_in_dim3A : f32 to vector<16xf32>
    %swap3A = arith.constant 0 : index
    %swap3A_9 = tpu.vector_load %arg9[%swap3A] {strides = array<i32>} : memref<16xf32, #tpu.memory_space<vmem>>, vector<16xf32>,
    tpu.vector_store %arg9[%swap3A], %broadcast_in_dim3A_8 {strides = array<i32>} : memref<16xf32, #tpu.memory_space<vmem>>, vector<16xf32>,
    %iota3A = tpu.iota {dimensions = array<i32: 0>} : vector<16xi32>
    %swap3A_10 = arith.constant 0 : index
    %swap3A_11 = tpu.vector_load %arg11[%swap3A_10] {strides = array<i32>} : memref<32xi32, #tpu.memory_space<vmem>>, vector<16xi32>,
    tpu.vector_store %arg11[%swap3A_10], %iota3A {strides = array<i32>} : memref<32xi32, #tpu.memory_space<vmem>>, vector<16xi32>,
    %iota3A_12 = tpu.iota {dimensions = array<i32: 0>} : vector<16xi32>
    %add3A = arith.constant 16 : i32
    %add3A_13 = vector.broadcast %add3A : i32 to vector<16xi32>
    %add3A_14 = arith.addi %iota3A_12, %add3A_13 : vector<16xi32>
    %swap3A_15 = arith.constant 16 : index
    %swap3A_16 = tpu.vector_load %arg11[%swap3A_15] {strides = array<i32>} : memref<32xi32, #tpu.memory_space<vmem>>, vector<16xi32>,
    tpu.vector_store %arg11[%swap3A_15], %add3A_14 {strides = array<i32>} : memref<32xi32, #tpu.memory_space<vmem>>, vector<16xi32>,
    %broadcast_in_dim3A_17 = arith.constant 0.000000e+00 : f32
    %broadcast_in_dim3A_18 = vector.broadcast %broadcast_in_dim3A_17 : f32 to vector<16xf32>
    %broadcast_in_dim3A_19 = arith.constant 0 : i32
    %broadcast_in_dim3A_20 = vector.broadcast %broadcast_in_dim3A_19 : i32 to vector<16xi32>
    %iota3A_21 = tpu.iota {dimensions = array<i32: 0>} : vector<16xi32>
    %eq3A = arith.constant 0 : i32
    %eq3A_22 = arith.cmpi eq, %arg1, %eq3A : i32
    %convert_element_type3A = arith.extui %eq3A_22 : i1 to i32
    %cond3A = arith.constant 0 : i32
    %cond3A_23 = arith.cmpi ne, %convert_element_type3A, %cond3A : i32
    scf.if %cond3A_23 {
      %swap3A_214 = arith.constant 0 : index
      %swap3A_215 = tpu.vector_load %arg14[%swap3A_214] {strides = array<i32>} : memref<32xf32, #tpu.memory_space<vmem>>, vector<16xf32>,
      tpu.vector_store %arg14[%swap3A_214], %broadcast_in_dim3A_18 {strides = array<i32>} : memref<32xf32, #tpu.memory_space<vmem>>, vector<16xf32>,
      %swap3A_216 = arith.constant 16 : index
      %swap3A_217 = tpu.vector_load %arg14[%swap3A_216] {strides = array<i32>} : memref<32xf32, #tpu.memory_space<vmem>>, vector<16xf32>,
      tpu.vector_store %arg14[%swap3A_216], %broadcast_in_dim3A_18 {strides = array<i32>} : memref<32xf32, #tpu.memory_space<vmem>>, vector<16xf32>,
      "tpu.region"() ({
        %run_scoped3A = tpu.sem_alloc : memref<!tpu.dma_semaphore, #tpu.memory_space<semaphore_mem>>
        tpu.enqueue_dma source(%arg14 : memref<32xf32, #tpu.memory_space<vmem>>) target(%arg12 : memref<32xf32, #tpu.memory_space<vmem_shared>>) target_semaphore(%run_scoped3A : memref<!tpu.dma_semaphore, #tpu.memory_space<semaphore_mem>>)
        tpu.wait_dma2 semaphore(%run_scoped3A : memref<!tpu.dma_semaphore, #tpu.memory_space<semaphore_mem>>) src(%arg14 : memref<32xf32, #tpu.memory_space<vmem>>) dst(%arg12 : memref<32xf32, #tpu.memory_space<vmem_shared>>)
        tpu.yield
      }) : () -> ()
      %swap3A_218 = arith.constant 0 : index
      %swap3A_219 = tpu.vector_load %arg17[%swap3A_218] {strides = array<i32>} : memref<256xf32, #tpu.memory_space<vmem>>, vector<16xf32>,
      tpu.vector_store %arg17[%swap3A_218], %broadcast_in_dim3A_18 {strides = array<i32>} : memref<256xf32, #tpu.memory_space<vmem>>, vector<16xf32>,
      %swap3A_220 = arith.constant 16 : index
      %swap3A_221 = tpu.vector_load %arg17[%swap3A_220] {strides = array<i32>} : memref<256xf32, #tpu.memory_space<vmem>>, vector<16xf32>,
      tpu.vector_store %arg17[%swap3A_220], %broadcast_in_dim3A_18 {strides = array<i32>} : memref<256xf32, #tpu.memory_space<vmem>>, vector<16xf32>,
      %swap3A_222 = arith.constant 32 : index
      %swap3A_223 = tpu.vector_load %arg17[%swap3A_222] {strides = array<i32>} : memref<256xf32, #tpu.memory_space<vmem>>, vector<16xf32>,
      tpu.vector_store %arg17[%swap3A_222], %broadcast_in_dim3A_18 {strides = array<i32>} : memref<256xf32, #tpu.memory_space<vmem>>, vector<16xf32>,
      %swap3A_224 = arith.constant 48 : index
      %swap3A_225 = tpu.vector_load %arg17[%swap3A_224] {strides = array<i32>} : memref<256xf32, #tpu.memory_space<vmem>>, vector<16xf32>,
      tpu.vector_store %arg17[%swap3A_224], %broadcast_in_dim3A_18 {strides = array<i32>} : memref<256xf32, #tpu.memory_space<vmem>>, vector<16xf32>,
      %swap3A_226 = arith.constant 64 : index
      %swap3A_227 = tpu.vector_load %arg17[%swap3A_226] {strides = array<i32>} : memref<256xf32, #tpu.memory_space<vmem>>, vector<16xf32>,
      tpu.vector_store %arg17[%swap3A_226], %broadcast_in_dim3A_18 {strides = array<i32>} : memref<256xf32, #tpu.memory_space<vmem>>, vector<16xf32>,
      %swap3A_228 = arith.constant 80 : index
      %swap3A_229 = tpu.vector_load %arg17[%swap3A_228] {strides = array<i32>} : memref<256xf32, #tpu.memory_space<vmem>>, vector<16xf32>,
      tpu.vector_store %arg17[%swap3A_228], %broadcast_in_dim3A_18 {strides = array<i32>} : memref<256xf32, #tpu.memory_space<vmem>>, vector<16xf32>,
      %swap3A_230 = arith.constant 96 : index
      %swap3A_231 = tpu.vector_load %arg17[%swap3A_230] {strides = array<i32>} : memref<256xf32, #tpu.memory_space<vmem>>, vector<16xf32>,
      tpu.vector_store %arg17[%swap3A_230], %broadcast_in_dim3A_18 {strides = array<i32>} : memref<256xf32, #tpu.memory_space<vmem>>, vector<16xf32>,
      %swap3A_232 = arith.constant 112 : index
      %swap3A_233 = tpu.vector_load %arg17[%swap3A_232] {strides = array<i32>} : memref<256xf32, #tpu.memory_space<vmem>>, vector<16xf32>,
      tpu.vector_store %arg17[%swap3A_232], %broadcast_in_dim3A_18 {strides = array<i32>} : memref<256xf32, #tpu.memory_space<vmem>>, vector<16xf32>,
      %swap3A_234 = arith.constant 128 : index
      %swap3A_235 = tpu.vector_load %arg17[%swap3A_234] {strides = array<i32>} : memref<256xf32, #tpu.memory_space<vmem>>, vector<16xf32>,
      tpu.vector_store %arg17[%swap3A_234], %broadcast_in_dim3A_18 {strides = array<i32>} : memref<256xf32, #tpu.memory_space<vmem>>, vector<16xf32>,
      %swap3A_236 = arith.constant 144 : index
      %swap3A_237 = tpu.vector_load %arg17[%swap3A_236] {strides = array<i32>} : memref<256xf32, #tpu.memory_space<vmem>>, vector<16xf32>,
      tpu.vector_store %arg17[%swap3A_236], %broadcast_in_dim3A_18 {strides = array<i32>} : memref<256xf32, #tpu.memory_space<vmem>>, vector<16xf32>,
      %swap3A_238 = arith.constant 160 : index
      %swap3A_239 = tpu.vector_load %arg17[%swap3A_238] {strides = array<i32>} : memref<256xf32, #tpu.memory_space<vmem>>, vector<16xf32>,
      tpu.vector_store %arg17[%swap3A_238], %broadcast_in_dim3A_18 {strides = array<i32>} : memref<256xf32, #tpu.memory_space<vmem>>, vector<16xf32>,
      %swap3A_240 = arith.constant 176 : index
      %swap3A_241 = tpu.vector_load %arg17[%swap3A_240] {strides = array<i32>} : memref<256xf32, #tpu.memory_space<vmem>>, vector<16xf32>,
      tpu.vector_store %arg17[%swap3A_240], %broadcast_in_dim3A_18 {strides = array<i32>} : memref<256xf32, #tpu.memory_space<vmem>>, vector<16xf32>,
      %swap3A_242 = arith.constant 192 : index
      %swap3A_243 = tpu.vector_load %arg17[%swap3A_242] {strides = array<i32>} : memref<256xf32, #tpu.memory_space<vmem>>, vector<16xf32>,
      tpu.vector_store %arg17[%swap3A_242], %broadcast_in_dim3A_18 {strides = array<i32>} : memref<256xf32, #tpu.memory_space<vmem>>, vector<16xf32>,
      %swap3A_244 = arith.constant 208 : index
      %swap3A_245 = tpu.vector_load %arg17[%swap3A_244] {strides = array<i32>} : memref<256xf32, #tpu.memory_space<vmem>>, vector<16xf32>,
      tpu.vector_store %arg17[%swap3A_244], %broadcast_in_dim3A_18 {strides = array<i32>} : memref<256xf32, #tpu.memory_space<vmem>>, vector<16xf32>,
      %swap3A_246 = arith.constant 224 : index
      %swap3A_247 = tpu.vector_load %arg17[%swap3A_246] {strides = array<i32>} : memref<256xf32, #tpu.memory_space<vmem>>, vector<16xf32>,
      tpu.vector_store %arg17[%swap3A_246], %broadcast_in_dim3A_18 {strides = array<i32>} : memref<256xf32, #tpu.memory_space<vmem>>, vector<16xf32>,
      %swap3A_248 = arith.constant 240 : index
      %swap3A_249 = tpu.vector_load %arg17[%swap3A_248] {strides = array<i32>} : memref<256xf32, #tpu.memory_space<vmem>>, vector<16xf32>,
      tpu.vector_store %arg17[%swap3A_248], %broadcast_in_dim3A_18 {strides = array<i32>} : memref<256xf32, #tpu.memory_space<vmem>>, vector<16xf32>,
      "tpu.region"() ({
        %run_scoped3A = tpu.sem_alloc : memref<!tpu.dma_semaphore, #tpu.memory_space<semaphore_mem>>
        tpu.enqueue_dma source(%arg17 : memref<256xf32, #tpu.memory_space<vmem>>) target(%arg16 : memref<256xf32, #tpu.memory_space<vmem_shared>>) target_semaphore(%run_scoped3A : memref<!tpu.dma_semaphore, #tpu.memory_space<semaphore_mem>>)
        tpu.wait_dma2 semaphore(%run_scoped3A : memref<!tpu.dma_semaphore, #tpu.memory_space<semaphore_mem>>) src(%arg17 : memref<256xf32, #tpu.memory_space<vmem>>) dst(%arg16 : memref<256xf32, #tpu.memory_space<vmem_shared>>)
        tpu.yield
      }) : () -> ()
    } else {
    }
    %dma_wait3A = tpu.memref_slice %arg2[%mul3A_0] : memref<32768xf32, #tpu.memory_space<hbm>> -> memref<2048xf32, #tpu.memory_space<hbm>>
    %dma_wait3A_24 = tpu.memref_slice %arg2[%mul3A_0] : memref<32768xf32, #tpu.memory_space<hbm>> -> memref<2048xf32, #tpu.memory_space<hbm>>
    tpu.wait_dma2 semaphore(%arg20 : memref<!tpu.dma_semaphore, #tpu.memory_space<semaphore_mem>>) src(%dma_wait3A_24 : memref<2048xf32, #tpu.memory_space<hbm>>) dst(%arg5 : memref<2048xf32, #tpu.memory_space<vmem>>)
    %dma_wait3A_25 = arith.constant 0 : i32
    %dma_wait3A_26 = tpu.memref_slice %arg6[%dma_wait3A_25] : memref<2064xi32, #tpu.memory_space<vmem>> -> memref<2048xi32, #tpu.memory_space<vmem>>
    %dma_wait3A_27 = tpu.memref_slice %arg3[%mul3A_0] : memref<32768xi32, #tpu.memory_space<hbm>> -> memref<2048xi32, #tpu.memory_space<hbm>>
    %dma_wait3A_28 = arith.constant 0 : i32
    %dma_wait3A_29 = tpu.memref_slice %arg6[%dma_wait3A_28] : memref<2064xi32, #tpu.memory_space<vmem>> -> memref<2048xi32, #tpu.memory_space<vmem>>
    %dma_wait3A_30 = tpu.memref_slice %arg3[%mul3A_0] : memref<32768xi32, #tpu.memory_space<hbm>> -> memref<2048xi32, #tpu.memory_space<hbm>>
    tpu.wait_dma2 semaphore(%arg21 : memref<!tpu.dma_semaphore, #tpu.memory_space<semaphore_mem>>) src(%dma_wait3A_30 : memref<2048xi32, #tpu.memory_space<hbm>>) dst(%dma_wait3A_29 : memref<2048xi32, #tpu.memory_space<vmem>>)
    %eq3A_31 = arith.constant 15 : i32
    %eq3A_32 = arith.cmpi eq, %arg1, %eq3A_31 : i32
    %convert_element_type3A_33 = arith.extui %eq3A_32 : i1 to i32
    %cond3A_34 = arith.constant 0 : i32
    %cond3A_35 = arith.cmpi ne, %convert_element_type3A_33, %cond3A_34 : i32
    scf.if %cond3A_35 {
      %broadcast_in_dim3A_214 = arith.constant 16 : i32
      %broadcast_in_dim3A_215 = vector.broadcast %broadcast_in_dim3A_214 : i32 to vector<16xi32>
      %swap3A_216 = arith.constant 2048 : index
      %swap3A_217 = tpu.vector_load %arg6[%swap3A_216] {strides = array<i32>} : memref<2064xi32, #tpu.memory_space<vmem>>, vector<16xi32>,
      tpu.vector_store %arg6[%swap3A_216], %broadcast_in_dim3A_215 {strides = array<i32>} : memref<2064xi32, #tpu.memory_space<vmem>>, vector<16xi32>,
    } else {
    }
    %lt3A = arith.constant 15 : i32
    %lt3A_36 = arith.cmpi slt, %arg1, %lt3A : i32
    %convert_element_type3A_37 = arith.extui %lt3A_36 : i1 to i32
    %cond3A_38 = arith.constant 0 : i32
    %cond3A_39 = arith.cmpi ne, %convert_element_type3A_37, %cond3A_38 : i32
    scf.if %cond3A_39 {
      %add3A_214 = arith.constant 2048 : i32
      %add3A_215 = arith.addi %mul3A_0, %add3A_214 : i32
      "tpu.region"() ({
        %run_scoped3A = tpu.sem_alloc : memref<!tpu.dma_semaphore, #tpu.memory_space<semaphore_mem>>
        %dma_start3A_216 = arith.constant 2048 : i32
        %dma_start3A_217 = tpu.memref_slice %arg6[%dma_start3A_216] : memref<2064xi32, #tpu.memory_space<vmem>> -> memref<16xi32, #tpu.memory_space<vmem>>
        %dma_start3A_218 = tpu.memref_slice %arg3[%add3A_215] : memref<32768xi32, #tpu.memory_space<hbm>> -> memref<16xi32, #tpu.memory_space<hbm>>
        %dma_start3A_219 = arith.constant 2048 : i32
        %dma_start3A_220 = tpu.memref_slice %arg6[%dma_start3A_219] : memref<2064xi32, #tpu.memory_space<vmem>> -> memref<16xi32, #tpu.memory_space<vmem>>
        %dma_start3A_221 = tpu.memref_slice %arg3[%add3A_215] : memref<32768xi32, #tpu.memory_space<hbm>> -> memref<16xi32, #tpu.memory_space<hbm>>
        tpu.enqueue_dma source(%dma_start3A_221 : memref<16xi32, #tpu.memory_space<hbm>>) target(%dma_start3A_220 : memref<16xi32, #tpu.memory_space<vmem>>) target_semaphore(%run_scoped3A : memref<!tpu.dma_semaphore, #tpu.memory_space<semaphore_mem>>)
        %dma_wait3A_222 = arith.constant 2048 : i32
        %dma_wait3A_223 = tpu.memref_slice %arg6[%dma_wait3A_222] : memref<2064xi32, #tpu.memory_space<vmem>> -> memref<16xi32, #tpu.memory_space<vmem>>
        %dma_wait3A_224 = tpu.memref_slice %arg3[%add3A_215] : memref<32768xi32, #tpu.memory_space<hbm>> -> memref<16xi32, #tpu.memory_space<hbm>>
        %dma_wait3A_225 = arith.constant 2048 : i32
        %dma_wait3A_226 = tpu.memref_slice %arg6[%dma_wait3A_225] : memref<2064xi32, #tpu.memory_space<vmem>> -> memref<16xi32, #tpu.memory_space<vmem>>
        %dma_wait3A_227 = tpu.memref_slice %arg3[%add3A_215] : memref<32768xi32, #tpu.memory_space<hbm>> -> memref<16xi32, #tpu.memory_space<hbm>>
        tpu.wait_dma2 semaphore(%run_scoped3A : memref<!tpu.dma_semaphore, #tpu.memory_space<semaphore_mem>>) src(%dma_wait3A_227 : memref<16xi32, #tpu.memory_space<hbm>>) dst(%dma_wait3A_226 : memref<16xi32, #tpu.memory_space<vmem>>)
        tpu.yield
      }) : () -> ()
    } else {
    }
    %barrier3A = arith.constant 0 : index
    tpu.barrier barrier_id(%barrier3A)
    %swap3A_40 = arith.constant 0 : index
    %swap3A_41 = tpu.vector_load %arg10[%swap3A_40] {strides = array<i32>} : memref<32xf32, #tpu.memory_space<vmem>>, vector<16xf32>,
    tpu.vector_store %arg10[%swap3A_40], %broadcast_in_dim3A_18 {strides = array<i32>} : memref<32xf32, #tpu.memory_space<vmem>>, vector<16xf32>,
    %swap3A_42 = arith.constant 16 : index
    %swap3A_43 = tpu.vector_load %arg10[%swap3A_42] {strides = array<i32>} : memref<32xf32, #tpu.memory_space<vmem>>, vector<16xf32>,
    tpu.vector_store %arg10[%swap3A_42], %broadcast_in_dim3A_18 {strides = array<i32>} : memref<32xf32, #tpu.memory_space<vmem>>, vector<16xf32>,
    %scan3A = arith.constant 0 : i32
    %scan3A_44 = arith.constant 0 : i32
    %scan3A_45 = arith.constant 128 : i32
    %scan3A_46 = arith.addi %scan3A_44, %scan3A_45 : i32
    %scan3A_47 = arith.constant 8 : i32
    scf.for %scan3A_214 = %scan3A_44 to %scan3A_46 step %scan3A_47  : i32 {
      %mul3A_215 = arith.constant 16 : i32
      %mul3A_216 = arith.muli %scan3A_214, %mul3A_215 : i32
      %get3A_217 = arith.index_cast %mul3A_216 : i32 to index
      %get3A_218 = tpu.vector_load %arg6[%get3A_217] {strides = array<i32>} : memref<2064xi32, #tpu.memory_space<vmem>>, vector<16xi32>,
      %add3A_219 = arith.constant 1 : i32
      %add3A_220 = arith.addi %mul3A_216, %add3A_219 : i32
      %get3A_221 = arith.index_cast %add3A_220 : i32 to index
      %get3A_222 = tpu.vector_load %arg6[%get3A_221] {strides = array<i32>} : memref<2064xi32, #tpu.memory_space<vmem>>, vector<16xi32>,
      %ne3A = arith.cmpi ne, %get3A_218, %get3A_222 : vector<16xi32>
      %add3A_223 = arith.addi %mul3A_0, %mul3A_216 : i32
      %add3A_224 = arith.constant 1 : i32
      %add3A_225 = arith.addi %add3A_223, %add3A_224 : i32
      %add3A_226 = vector.broadcast %add3A_225 : i32 to vector<16xi32>
      %add3A_227 = arith.addi %add3A_226, %iota3A_21 : vector<16xi32>
      %add3A_228 = arith.constant 16 : i32
      %add3A_229 = vector.broadcast %add3A_228 : i32 to vector<16xi32>
      %add3A_230 = arith.addi %get3A_218, %add3A_229 : vector<16xi32>
      %convert_element_type3A_231 = arith.sitofp %add3A_227 : vector<16xi32> to vector<16xf32>
      tpu.vector_store_idx %arg10[%add3A_230], %convert_element_type3A_231 masked %ne3A {add = true} : memref<32xf32, #tpu.memory_space<vmem>>[vector<16xi32>], vector<16xf32>, vector<16xi1>
      %scan3A_232 = arith.constant 1 : i32
      %scan3A_233 = arith.addi %scan3A_214, %scan3A_232 : i32
      %mul3A_234 = arith.constant 16 : i32
      %mul3A_235 = arith.muli %scan3A_233, %mul3A_234 : i32
      %get3A_236 = arith.index_cast %mul3A_235 : i32 to index
      %get3A_237 = tpu.vector_load %arg6[%get3A_236] {strides = array<i32>} : memref<2064xi32, #tpu.memory_space<vmem>>, vector<16xi32>,
      %add3A_238 = arith.constant 1 : i32
      %add3A_239 = arith.addi %mul3A_235, %add3A_238 : i32
      %get3A_240 = arith.index_cast %add3A_239 : i32 to index
      %get3A_241 = tpu.vector_load %arg6[%get3A_240] {strides = array<i32>} : memref<2064xi32, #tpu.memory_space<vmem>>, vector<16xi32>,
      %ne3A_242 = arith.cmpi ne, %get3A_237, %get3A_241 : vector<16xi32>
      %add3A_243 = arith.addi %mul3A_0, %mul3A_235 : i32
      %add3A_244 = arith.constant 1 : i32
      %add3A_245 = arith.addi %add3A_243, %add3A_244 : i32
      %add3A_246 = vector.broadcast %add3A_245 : i32 to vector<16xi32>
      %add3A_247 = arith.addi %add3A_246, %iota3A_21 : vector<16xi32>
      %add3A_248 = arith.constant 16 : i32
      %add3A_249 = vector.broadcast %add3A_248 : i32 to vector<16xi32>
      %add3A_250 = arith.addi %get3A_237, %add3A_249 : vector<16xi32>
      %convert_element_type3A_251 = arith.sitofp %add3A_247 : vector<16xi32> to vector<16xf32>
      tpu.vector_store_idx %arg10[%add3A_250], %convert_element_type3A_251 masked %ne3A_242 {add = true} : memref<32xf32, #tpu.memory_space<vmem>>[vector<16xi32>], vector<16xf32>, vector<16xi1>
      %scan3A_252 = arith.constant 2 : i32
      %scan3A_253 = arith.addi %scan3A_214, %scan3A_252 : i32
      %mul3A_254 = arith.constant 16 : i32
      %mul3A_255 = arith.muli %scan3A_253, %mul3A_254 : i32
      %get3A_256 = arith.index_cast %mul3A_255 : i32 to index
      %get3A_257 = tpu.vector_load %arg6[%get3A_256] {strides = array<i32>} : memref<2064xi32, #tpu.memory_space<vmem>>, vector<16xi32>,
      %add3A_258 = arith.constant 1 : i32
      %add3A_259 = arith.addi %mul3A_255, %add3A_258 : i32
      %get3A_260 = arith.index_cast %add3A_259 : i32 to index
      %get3A_261 = tpu.vector_load %arg6[%get3A_260] {strides = array<i32>} : memref<2064xi32, #tpu.memory_space<vmem>>, vector<16xi32>,
      %ne3A_262 = arith.cmpi ne, %get3A_257, %get3A_261 : vector<16xi32>
      %add3A_263 = arith.addi %mul3A_0, %mul3A_255 : i32
      %add3A_264 = arith.constant 1 : i32
      %add3A_265 = arith.addi %add3A_263, %add3A_264 : i32
      %add3A_266 = vector.broadcast %add3A_265 : i32 to vector<16xi32>
      %add3A_267 = arith.addi %add3A_266, %iota3A_21 : vector<16xi32>
      %add3A_268 = arith.constant 16 : i32
      %add3A_269 = vector.broadcast %add3A_268 : i32 to vector<16xi32>
      %add3A_270 = arith.addi %get3A_257, %add3A_269 : vector<16xi32>
      %convert_element_type3A_271 = arith.sitofp %add3A_267 : vector<16xi32> to vector<16xf32>
      tpu.vector_store_idx %arg10[%add3A_270], %convert_element_type3A_271 masked %ne3A_262 {add = true} : memref<32xf32, #tpu.memory_space<vmem>>[vector<16xi32>], vector<16xf32>, vector<16xi1>
      %scan3A_272 = arith.constant 3 : i32
      %scan3A_273 = arith.addi %scan3A_214, %scan3A_272 : i32
      %mul3A_274 = arith.constant 16 : i32
      %mul3A_275 = arith.muli %scan3A_273, %mul3A_274 : i32
      %get3A_276 = arith.index_cast %mul3A_275 : i32 to index
      %get3A_277 = tpu.vector_load %arg6[%get3A_276] {strides = array<i32>} : memref<2064xi32, #tpu.memory_space<vmem>>, vector<16xi32>,
      %add3A_278 = arith.constant 1 : i32
      %add3A_279 = arith.addi %mul3A_275, %add3A_278 : i32
      %get3A_280 = arith.index_cast %add3A_279 : i32 to index
      %get3A_281 = tpu.vector_load %arg6[%get3A_280] {strides = array<i32>} : memref<2064xi32, #tpu.memory_space<vmem>>, vector<16xi32>,
      %ne3A_282 = arith.cmpi ne, %get3A_277, %get3A_281 : vector<16xi32>
      %add3A_283 = arith.addi %mul3A_0, %mul3A_275 : i32
      %add3A_284 = arith.constant 1 : i32
      %add3A_285 = arith.addi %add3A_283, %add3A_284 : i32
      %add3A_286 = vector.broadcast %add3A_285 : i32 to vector<16xi32>
      %add3A_287 = arith.addi %add3A_286, %iota3A_21 : vector<16xi32>
      %add3A_288 = arith.constant 16 : i32
      %add3A_289 = vector.broadcast %add3A_288 : i32 to vector<16xi32>
      %add3A_290 = arith.addi %get3A_277, %add3A_289 : vector<16xi32>
      %convert_element_type3A_291 = arith.sitofp %add3A_287 : vector<16xi32> to vector<16xf32>
      tpu.vector_store_idx %arg10[%add3A_290], %convert_element_type3A_291 masked %ne3A_282 {add = true} : memref<32xf32, #tpu.memory_space<vmem>>[vector<16xi32>], vector<16xf32>, vector<16xi1>
      %scan3A_292 = arith.constant 4 : i32
      %scan3A_293 = arith.addi %scan3A_214, %scan3A_292 : i32
      %mul3A_294 = arith.constant 16 : i32
      %mul3A_295 = arith.muli %scan3A_293, %mul3A_294 : i32
      %get3A_296 = arith.index_cast %mul3A_295 : i32 to index
      %get3A_297 = tpu.vector_load %arg6[%get3A_296] {strides = array<i32>} : memref<2064xi32, #tpu.memory_space<vmem>>, vector<16xi32>,
      %add3A_298 = arith.constant 1 : i32
      %add3A_299 = arith.addi %mul3A_295, %add3A_298 : i32
      %get3A_300 = arith.index_cast %add3A_299 : i32 to index
      %get3A_301 = tpu.vector_load %arg6[%get3A_300] {strides = array<i32>} : memref<2064xi32, #tpu.memory_space<vmem>>, vector<16xi32>,
      %ne3A_302 = arith.cmpi ne, %get3A_297, %get3A_301 : vector<16xi32>
      %add3A_303 = arith.addi %mul3A_0, %mul3A_295 : i32
      %add3A_304 = arith.constant 1 : i32
      %add3A_305 = arith.addi %add3A_303, %add3A_304 : i32
      %add3A_306 = vector.broadcast %add3A_305 : i32 to vector<16xi32>
      %add3A_307 = arith.addi %add3A_306, %iota3A_21 : vector<16xi32>
      %add3A_308 = arith.constant 16 : i32
      %add3A_309 = vector.broadcast %add3A_308 : i32 to vector<16xi32>
      %add3A_310 = arith.addi %get3A_297, %add3A_309 : vector<16xi32>
      %convert_element_type3A_311 = arith.sitofp %add3A_307 : vector<16xi32> to vector<16xf32>
      tpu.vector_store_idx %arg10[%add3A_310], %convert_element_type3A_311 masked %ne3A_302 {add = true} : memref<32xf32, #tpu.memory_space<vmem>>[vector<16xi32>], vector<16xf32>, vector<16xi1>
      %scan3A_312 = arith.constant 5 : i32
      %scan3A_313 = arith.addi %scan3A_214, %scan3A_312 : i32
      %mul3A_314 = arith.constant 16 : i32
      %mul3A_315 = arith.muli %scan3A_313, %mul3A_314 : i32
      %get3A_316 = arith.index_cast %mul3A_315 : i32 to index
      %get3A_317 = tpu.vector_load %arg6[%get3A_316] {strides = array<i32>} : memref<2064xi32, #tpu.memory_space<vmem>>, vector<16xi32>,
      %add3A_318 = arith.constant 1 : i32
      %add3A_319 = arith.addi %mul3A_315, %add3A_318 : i32
      %get3A_320 = arith.index_cast %add3A_319 : i32 to index
      %get3A_321 = tpu.vector_load %arg6[%get3A_320] {strides = array<i32>} : memref<2064xi32, #tpu.memory_space<vmem>>, vector<16xi32>,
      %ne3A_322 = arith.cmpi ne, %get3A_317, %get3A_321 : vector<16xi32>
      %add3A_323 = arith.addi %mul3A_0, %mul3A_315 : i32
      %add3A_324 = arith.constant 1 : i32
      %add3A_325 = arith.addi %add3A_323, %add3A_324 : i32
      %add3A_326 = vector.broadcast %add3A_325 : i32 to vector<16xi32>
      %add3A_327 = arith.addi %add3A_326, %iota3A_21 : vector<16xi32>
      %add3A_328 = arith.constant 16 : i32
      %add3A_329 = vector.broadcast %add3A_328 : i32 to vector<16xi32>
      %add3A_330 = arith.addi %get3A_317, %add3A_329 : vector<16xi32>
      %convert_element_type3A_331 = arith.sitofp %add3A_327 : vector<16xi32> to vector<16xf32>
      tpu.vector_store_idx %arg10[%add3A_330], %convert_element_type3A_331 masked %ne3A_322 {add = true} : memref<32xf32, #tpu.memory_space<vmem>>[vector<16xi32>], vector<16xf32>, vector<16xi1>
      %scan3A_332 = arith.constant 6 : i32
      %scan3A_333 = arith.addi %scan3A_214, %scan3A_332 : i32
      %mul3A_334 = arith.constant 16 : i32
      %mul3A_335 = arith.muli %scan3A_333, %mul3A_334 : i32
      %get3A_336 = arith.index_cast %mul3A_335 : i32 to index
      %get3A_337 = tpu.vector_load %arg6[%get3A_336] {strides = array<i32>} : memref<2064xi32, #tpu.memory_space<vmem>>, vector<16xi32>,
      %add3A_338 = arith.constant 1 : i32
      %add3A_339 = arith.addi %mul3A_335, %add3A_338 : i32
      %get3A_340 = arith.index_cast %add3A_339 : i32 to index
      %get3A_341 = tpu.vector_load %arg6[%get3A_340] {strides = array<i32>} : memref<2064xi32, #tpu.memory_space<vmem>>, vector<16xi32>,
      %ne3A_342 = arith.cmpi ne, %get3A_337, %get3A_341 : vector<16xi32>
      %add3A_343 = arith.addi %mul3A_0, %mul3A_335 : i32
      %add3A_344 = arith.constant 1 : i32
      %add3A_345 = arith.addi %add3A_343, %add3A_344 : i32
      %add3A_346 = vector.broadcast %add3A_345 : i32 to vector<16xi32>
      %add3A_347 = arith.addi %add3A_346, %iota3A_21 : vector<16xi32>
      %add3A_348 = arith.constant 16 : i32
      %add3A_349 = vector.broadcast %add3A_348 : i32 to vector<16xi32>
      %add3A_350 = arith.addi %get3A_337, %add3A_349 : vector<16xi32>
      %convert_element_type3A_351 = arith.sitofp %add3A_347 : vector<16xi32> to vector<16xf32>
      tpu.vector_store_idx %arg10[%add3A_350], %convert_element_type3A_351 masked %ne3A_342 {add = true} : memref<32xf32, #tpu.memory_space<vmem>>[vector<16xi32>], vector<16xf32>, vector<16xi1>
      %scan3A_352 = arith.constant 7 : i32
      %scan3A_353 = arith.addi %scan3A_214, %scan3A_352 : i32
      %mul3A_354 = arith.constant 16 : i32
      %mul3A_355 = arith.muli %scan3A_353, %mul3A_354 : i32
      %get3A_356 = arith.index_cast %mul3A_355 : i32 to index
      %get3A_357 = tpu.vector_load %arg6[%get3A_356] {strides = array<i32>} : memref<2064xi32, #tpu.memory_space<vmem>>, vector<16xi32>,
      %add3A_358 = arith.constant 1 : i32
      %add3A_359 = arith.addi %mul3A_355, %add3A_358 : i32
      %get3A_360 = arith.index_cast %add3A_359 : i32 to index
      %get3A_361 = tpu.vector_load %arg6[%get3A_360] {strides = array<i32>} : memref<2064xi32, #tpu.memory_space<vmem>>, vector<16xi32>,
      %ne3A_362 = arith.cmpi ne, %get3A_357, %get3A_361 : vector<16xi32>
      %add3A_363 = arith.addi %mul3A_0, %mul3A_355 : i32
      %add3A_364 = arith.constant 1 : i32
      %add3A_365 = arith.addi %add3A_363, %add3A_364 : i32
      %add3A_366 = vector.broadcast %add3A_365 : i32 to vector<16xi32>
      %add3A_367 = arith.addi %add3A_366, %iota3A_21 : vector<16xi32>
      %add3A_368 = arith.constant 16 : i32
      %add3A_369 = vector.broadcast %add3A_368 : i32 to vector<16xi32>
      %add3A_370 = arith.addi %get3A_357, %add3A_369 : vector<16xi32>
      %convert_element_type3A_371 = arith.sitofp %add3A_367 : vector<16xi32> to vector<16xf32>
      tpu.vector_store_idx %arg10[%add3A_370], %convert_element_type3A_371 masked %ne3A_362 {add = true} : memref<32xf32, #tpu.memory_space<vmem>>[vector<16xi32>], vector<16xf32>, vector<16xi1>
    }
    %scan3A_48 = arith.constant 128 : i32
    "tpu.region"() ({
      %run_scoped3A = tpu.sem_alloc : memref<!tpu.dma_semaphore, #tpu.memory_space<semaphore_mem>>
      %dma_start3A_214 = arith.constant 0 : i32
      %dma_start3A_215 = tpu.memref_slice %arg12[%dma_start3A_214] : memref<32xf32, #tpu.memory_space<vmem_shared>> -> memref<32xf32, #tpu.memory_space<vmem_shared>>
      tpu.enqueue_indirect_dma source(%arg10 : memref<32xf32, #tpu.memory_space<vmem>>) target(%dma_start3A_215 : memref<32xf32, #tpu.memory_space<vmem_shared>>) offsets(%arg11 : memref<32xi32, #tpu.memory_space<vmem>>) semaphore(%run_scoped3A : memref<!tpu.dma_semaphore, #tpu.memory_space<semaphore_mem>>) {add = true}
      %dma_wait3A_216 = arith.constant 0 : i32
      %dma_wait3A_217 = tpu.memref_slice %arg12[%dma_wait3A_216] : memref<32xf32, #tpu.memory_space<vmem_shared>> -> memref<32xf32, #tpu.memory_space<vmem_shared>>
      tpu.wait_indirect_dma semaphore(%run_scoped3A : memref<!tpu.dma_semaphore, #tpu.memory_space<semaphore_mem>>) src(%arg10 : memref<32xf32, #tpu.memory_space<vmem>>) dst(%dma_wait3A_217 : memref<32xf32, #tpu.memory_space<vmem_shared>>)
      tpu.yield
    }) : () -> ()
    %barrier3A_49 = arith.constant 0 : index
    tpu.barrier barrier_id(%barrier3A_49)
    "tpu.region"() ({
      %run_scoped3A = tpu.sem_alloc : memref<!tpu.dma_semaphore, #tpu.memory_space<semaphore_mem>>
      tpu.enqueue_dma source(%arg12 : memref<32xf32, #tpu.memory_space<vmem_shared>>) target(%arg13 : memref<32xf32, #tpu.memory_space<vmem>>) target_semaphore(%run_scoped3A : memref<!tpu.dma_semaphore, #tpu.memory_space<semaphore_mem>>)
      tpu.wait_dma2 semaphore(%run_scoped3A : memref<!tpu.dma_semaphore, #tpu.memory_space<semaphore_mem>>) src(%arg12 : memref<32xf32, #tpu.memory_space<vmem_shared>>) dst(%arg13 : memref<32xf32, #tpu.memory_space<vmem>>)
      tpu.yield
    }) : () -> ()
    %get3A = arith.constant 0 : index
    %get3A_50 = tpu.vector_load %arg13[%get3A] {strides = array<i32>} : memref<32xf32, #tpu.memory_space<vmem>>, vector<16xf32>,
    %get3A_51 = arith.constant 16 : index
    %get3A_52 = tpu.vector_load %arg13[%get3A_51] {strides = array<i32>} : memref<32xf32, #tpu.memory_space<vmem>>, vector<16xf32>,
    %sub3A = arith.subf %get3A_50, %broadcast_in_dim3A_18 : vector<16xf32>
    %sub3A_53 = arith.constant 1.000000e+00 : f32
    %sub3A_54 = vector.broadcast %sub3A_53 : f32 to vector<16xf32>
    %sub3A_55 = arith.subf %sub3A, %sub3A_54 : vector<16xf32>
    %sub3A_56 = arith.subf %get3A_52, %broadcast_in_dim3A_18 : vector<16xf32>
    %max3A = arith.constant 1.000000e+00 : f32
    %max3A_57 = vector.broadcast %max3A : f32 to vector<16xf32>
    %max3A_58 = arith.maximumf %sub3A_56, %max3A_57 : vector<16xf32>
    %div3A = arith.divf %sub3A_55, %max3A_58 : vector<16xf32>
    %barrier3A_59 = arith.constant 0 : index
    tpu.barrier barrier_id(%barrier3A_59)
    %broadcast_in_dim3A_60 = arith.constant true
    %broadcast_in_dim3A_61 = vector.broadcast %broadcast_in_dim3A_60 : i1 to vector<16xi1>
    %masked_cummax3A = tpu.scan <max>, %get3A_52 masked %broadcast_in_dim3A_61 : vector<16xf32>, vector<16xi1> -> vector<16xf32>
    %swap3A_62 = arith.constant 0 : index
    %swap3A_63 = tpu.vector_load %arg14[%swap3A_62] {strides = array<i32>} : memref<32xf32, #tpu.memory_space<vmem>>, vector<16xf32>,
    tpu.vector_store %arg14[%swap3A_62], %broadcast_in_dim3A_18 {strides = array<i32>} : memref<32xf32, #tpu.memory_space<vmem>>, vector<16xf32>,
    %swap3A_64 = arith.constant 1 : index
    %swap3A_65 = tpu.vector_load %arg14[%swap3A_64] {strides = array<i32>} : memref<32xf32, #tpu.memory_space<vmem>>, vector<16xf32>,
    tpu.vector_store %arg14[%swap3A_64], %masked_cummax3A {strides = array<i32>} : memref<32xf32, #tpu.memory_space<vmem>>, vector<16xf32>,
    %get3A_66 = arith.constant 0 : index
    %get3A_67 = tpu.vector_load %arg14[%get3A_66] {strides = array<i32>} : memref<32xf32, #tpu.memory_space<vmem>>, vector<16xf32>,
    %convert_element_type3A_68 = arith.fptosi %get3A_67 : vector<16xf32> to vector<16xi32>
    %sub3A_69 = vector.broadcast %mul3A_0 : i32 to vector<16xi32>
    %sub3A_70 = arith.subi %convert_element_type3A_68, %sub3A_69 : vector<16xi32>
    %convert_element_type3A_71 = arith.fptosi %masked_cummax3A : vector<16xf32> to vector<16xi32>
    %sub3A_72 = vector.broadcast %mul3A_0 : i32 to vector<16xi32>
    %sub3A_73 = arith.subi %convert_element_type3A_71, %sub3A_72 : vector<16xi32>
    %jit3A = arith.constant 0 : i32
    %jit3A_74 = arith.constant 2048 : i32
    %max3A_75 = vector.broadcast %jit3A : i32 to vector<16xi32>
    %max3A_76 = arith.maxsi %max3A_75, %sub3A_70 : vector<16xi32>
    %min3A = vector.broadcast %jit3A_74 : i32 to vector<16xi32>
    %min3A_77 = arith.minsi %min3A, %max3A_76 : vector<16xi32>
    %jit3A_78 = arith.constant 0 : i32
    %jit3A_79 = arith.constant 2048 : i32
    %max3A_80 = vector.broadcast %jit3A_78 : i32 to vector<16xi32>
    %max3A_81 = arith.maxsi %max3A_80, %sub3A_73 : vector<16xi32>
    %min3A_82 = vector.broadcast %jit3A_79 : i32 to vector<16xi32>
    %min3A_83 = arith.minsi %min3A_82, %max3A_81 : vector<16xi32>
    %gt3A = arith.cmpi sgt, %min3A_83, %min3A_77 : vector<16xi32>
    %swap3A_84 = arith.constant 0 : index
    %swap3A_85 = tpu.vector_load %arg15[%swap3A_84] masked %gt3A {strides = array<i32>} : memref<96xi32, #tpu.memory_space<vmem>>, vector<16xi32>, vector<16xi1>
    tpu.vector_store %arg15[%swap3A_84], %iota3A_21 masked %gt3A {strides = array<i32>} : memref<96xi32, #tpu.memory_space<vmem>>, vector<16xi32>, vector<16xi1>
    %swap3A_86 = arith.constant 16 : index
    %swap3A_87 = tpu.vector_load %arg15[%swap3A_86] masked %gt3A {strides = array<i32>} : memref<96xi32, #tpu.memory_space<vmem>>, vector<16xi32>, vector<16xi1>
    tpu.vector_store %arg15[%swap3A_86], %min3A_77 masked %gt3A {strides = array<i32>} : memref<96xi32, #tpu.memory_space<vmem>>, vector<16xi32>, vector<16xi1>
    %swap3A_88 = arith.constant 32 : index
    %swap3A_89 = tpu.vector_load %arg15[%swap3A_88] masked %gt3A {strides = array<i32>} : memref<96xi32, #tpu.memory_space<vmem>>, vector<16xi32>, vector<16xi1>
    tpu.vector_store %arg15[%swap3A_88], %min3A_83 masked %gt3A {strides = array<i32>} : memref<96xi32, #tpu.memory_space<vmem>>, vector<16xi32>, vector<16xi1>
    %all_reduce_population_count3A = tpu.all_reduce %gt3A {dim = 0 : i64, kind = #tpu.reduction_kind<sum>} : vector<16xi1> -> vector<16xi32>
    %slice3A = vector.extract_strided_slice %all_reduce_population_count3A {offsets = [0], sizes = [1], strides = [1]} : vector<16xi32> to vector<1xi32>
    %squeeze3A = vector.extract %slice3A[0] : i32 from vector<1xi32>
    %while3A = arith.constant 0 : i32
    %while3A_90 = arith.subi %squeeze3A, %while3A : i32
    %while3A_91 = arith.addi %while3A, %while3A_90 : i32
    %while3A_92 = arith.constant 1 : i32
    %while3A_93 = arith.divsi %while3A_90, %while3A_92 : i32
    %while3A_94 = arith.muli %while3A_93, %while3A_92 : i32
    %while3A_95 = arith.addi %while3A, %while3A_94 : i32
    %while3A_96 = arith.constant 1 : i32
    %while3A_97 = scf.for %while3A_214 = %while3A to %while3A_95 step %while3A_96 iter_args(%while3A_215 = %broadcast_in_dim3A_18) -> (vector<16xf32>)  : i32 {
      %get3A_216 = arith.index_cast %while3A_214 : i32 to index
      %get3A_217 = tpu.vector_load %arg15[%get3A_216] {strides = array<i32>} : memref<96xi32, #tpu.memory_space<vmem>>, vector<16xi32>,
      %slice3A_218 = vector.extract_strided_slice %get3A_217 {offsets = [0], sizes = [1], strides = [1]} : vector<16xi32> to vector<1xi32>
      %squeeze3A_219 = vector.extract %slice3A_218[0] : i32 from vector<1xi32>
      %add3A_220 = arith.constant 16 : i32
      %add3A_221 = arith.addi %add3A_220, %while3A_214 : i32
      %get3A_222 = arith.index_cast %add3A_221 : i32 to index
      %get3A_223 = tpu.vector_load %arg15[%get3A_222] {strides = array<i32>} : memref<96xi32, #tpu.memory_space<vmem>>, vector<16xi32>,
      %slice3A_224 = vector.extract_strided_slice %get3A_223 {offsets = [0], sizes = [1], strides = [1]} : vector<16xi32> to vector<1xi32>
      %squeeze3A_225 = vector.extract %slice3A_224[0] : i32 from vector<1xi32>
      %add3A_226 = arith.constant 32 : i32
      %add3A_227 = arith.addi %add3A_226, %while3A_214 : i32
      %get3A_228 = arith.index_cast %add3A_227 : i32 to index
      %get3A_229 = tpu.vector_load %arg15[%get3A_228] {strides = array<i32>} : memref<96xi32, #tpu.memory_space<vmem>>, vector<16xi32>,
      %slice3A_230 = vector.extract_strided_slice %get3A_229 {offsets = [0], sizes = [1], strides = [1]} : vector<16xi32> to vector<1xi32>
      %squeeze3A_231 = vector.extract %slice3A_230[0] : i32 from vector<1xi32>
      %jit3A_232 = arith.constant 16 : i32
      %div3A_233 = arith.divsi %squeeze3A_225, %jit3A_232 : i32
      %sign3A = arith.constant 0 : i32
      %sign3A_234 = arith.cmpi sgt, %squeeze3A_225, %sign3A : i32
      %sign3A_235 = arith.extui %sign3A_234 : i1 to i32
      %sign3A_236 = arith.constant 0 : i32
      %sign3A_237 = arith.cmpi slt, %squeeze3A_225, %sign3A_236 : i32
      %sign3A_238 = arith.extui %sign3A_237 : i1 to i32
      %sign3A_239 = arith.subi %sign3A_235, %sign3A_238 : i32
      %sign3A_240 = arith.constant 0 : i32
      %sign3A_241 = arith.cmpi sgt, %jit3A_232, %sign3A_240 : i32
      %sign3A_242 = arith.extui %sign3A_241 : i1 to i32
      %sign3A_243 = arith.constant 0 : i32
      %sign3A_244 = arith.cmpi slt, %jit3A_232, %sign3A_243 : i32
      %sign3A_245 = arith.extui %sign3A_244 : i1 to i32
      %sign3A_246 = arith.subi %sign3A_242, %sign3A_245 : i32
      %ne3A = arith.cmpi ne, %sign3A_239, %sign3A_246 : i32
      %rem3A = arith.remsi %squeeze3A_225, %jit3A_232 : i32
      %ne3A_247 = arith.constant 0 : i32
      %ne3A_248 = arith.cmpi ne, %rem3A, %ne3A_247 : i32
      %and3A = arith.andi %ne3A, %ne3A_248 : i1
      %sub3A_249 = arith.constant 1 : i32
      %sub3A_250 = arith.subi %div3A_233, %sub3A_249 : i32
      %select_n3A = arith.select %and3A, %sub3A_250, %div3A_233 : i32
      %add3A_251 = arith.constant 16 : i32
      %add3A_252 = arith.addi %squeeze3A_231, %add3A_251 : i32
      %sub3A_253 = arith.constant 1 : i32
      %sub3A_254 = arith.subi %add3A_252, %sub3A_253 : i32
      %jit3A_255 = arith.constant 16 : i32
      %div3A_256 = arith.divsi %sub3A_254, %jit3A_255 : i32
      %sign3A_257 = arith.constant 0 : i32
      %sign3A_258 = arith.cmpi sgt, %sub3A_254, %sign3A_257 : i32
      %sign3A_259 = arith.extui %sign3A_258 : i1 to i32
      %sign3A_260 = arith.constant 0 : i32
      %sign3A_261 = arith.cmpi slt, %sub3A_254, %sign3A_260 : i32
      %sign3A_262 = arith.extui %sign3A_261 : i1 to i32
      %sign3A_263 = arith.subi %sign3A_259, %sign3A_262 : i32
      %sign3A_264 = arith.constant 0 : i32
      %sign3A_265 = arith.cmpi sgt, %jit3A_255, %sign3A_264 : i32
      %sign3A_266 = arith.extui %sign3A_265 : i1 to i32
      %sign3A_267 = arith.constant 0 : i32
      %sign3A_268 = arith.cmpi slt, %jit3A_255, %sign3A_267 : i32
      %sign3A_269 = arith.extui %sign3A_268 : i1 to i32
      %sign3A_270 = arith.subi %sign3A_266, %sign3A_269 : i32
      %ne3A_271 = arith.cmpi ne, %sign3A_263, %sign3A_270 : i32
      %rem3A_272 = arith.remsi %sub3A_254, %jit3A_255 : i32
      %ne3A_273 = arith.constant 0 : i32
      %ne3A_274 = arith.cmpi ne, %rem3A_272, %ne3A_273 : i32
      %and3A_275 = arith.andi %ne3A_271, %ne3A_274 : i1
      %sub3A_276 = arith.constant 1 : i32
      %sub3A_277 = arith.subi %div3A_256, %sub3A_276 : i32
      %select_n3A_278 = arith.select %and3A_275, %sub3A_277, %div3A_256 : i32
      %broadcast_in_dim3A_279 = arith.constant -3.000000e+38 : f32
      %broadcast_in_dim3A_280 = vector.broadcast %broadcast_in_dim3A_279 : f32 to vector<16xf32>
      %while3A_281 = arith.subi %select_n3A_278, %select_n3A : i32
      %while3A_282 = arith.addi %select_n3A, %while3A_281 : i32
      %while3A_283 = arith.constant 1 : i32
      %while3A_284 = arith.divsi %while3A_281, %while3A_283 : i32
      %while3A_285 = arith.muli %while3A_284, %while3A_283 : i32
      %while3A_286 = arith.addi %select_n3A, %while3A_285 : i32
      %while3A_287 = arith.constant 1 : i32
      %while3A_288 = scf.for %while3A_301 = %select_n3A to %while3A_286 step %while3A_287 iter_args(%while3A_302 = %broadcast_in_dim3A_280) -> (vector<16xf32>)  : i32 {
        %mul3A_303 = arith.constant 16 : i32
        %mul3A_304 = arith.muli %while3A_301, %mul3A_303 : i32
        %get3A_305 = arith.index_cast %mul3A_304 : i32 to index
        %get3A_306 = tpu.vector_load %arg5[%get3A_305] {strides = array<i32>} : memref<2048xf32, #tpu.memory_space<vmem>>, vector<16xf32>,
        %add3A_307 = vector.broadcast %mul3A_304 : i32 to vector<16xi32>
        %add3A_308 = arith.addi %add3A_307, %iota3A_21 : vector<16xi32>
        %ge3A = vector.broadcast %squeeze3A_225 : i32 to vector<16xi32>
        %ge3A_309 = arith.cmpi sge, %add3A_308, %ge3A : vector<16xi32>
        %lt3A_310 = vector.broadcast %squeeze3A_231 : i32 to vector<16xi32>
        %lt3A_311 = arith.cmpi slt, %add3A_308, %lt3A_310 : vector<16xi32>
        %and3A_312 = arith.andi %ge3A_309, %lt3A_311 : vector<16xi1>
        %jit3A_313 = arith.constant -3.000000e+38 : f32
        %broadcast_in_dim3A_314 = vector.broadcast %jit3A_313 : f32 to vector<16xf32>
        %select_n3A_315 = arith.select %and3A_312, %get3A_306, %broadcast_in_dim3A_314 : vector<16xi1>, vector<16xf32>
        %max3A_316 = arith.maximumf %while3A_302, %select_n3A_315 : vector<16xf32>
        scf.yield %max3A_316 : vector<16xf32>
      }
      %while3A_289 = arith.constant 1 : i32
      %while3A_290 = scf.for %while3A_301 = %while3A_286 to %while3A_282 step %while3A_289 iter_args(%while3A_302 = %while3A_288) -> (vector<16xf32>)  : i32 {
        %mul3A_303 = arith.constant 16 : i32
        %mul3A_304 = arith.muli %while3A_301, %mul3A_303 : i32
        %get3A_305 = arith.index_cast %mul3A_304 : i32 to index
        %get3A_306 = tpu.vector_load %arg5[%get3A_305] {strides = array<i32>} : memref<2048xf32, #tpu.memory_space<vmem>>, vector<16xf32>,
        %add3A_307 = vector.broadcast %mul3A_304 : i32 to vector<16xi32>
        %add3A_308 = arith.addi %add3A_307, %iota3A_21 : vector<16xi32>
        %ge3A = vector.broadcast %squeeze3A_225 : i32 to vector<16xi32>
        %ge3A_309 = arith.cmpi sge, %add3A_308, %ge3A : vector<16xi32>
        %lt3A_310 = vector.broadcast %squeeze3A_231 : i32 to vector<16xi32>
        %lt3A_311 = arith.cmpi slt, %add3A_308, %lt3A_310 : vector<16xi32>
        %and3A_312 = arith.andi %ge3A_309, %lt3A_311 : vector<16xi1>
        %jit3A_313 = arith.constant -3.000000e+38 : f32
        %broadcast_in_dim3A_314 = vector.broadcast %jit3A_313 : f32 to vector<16xf32>
        %select_n3A_315 = arith.select %and3A_312, %get3A_306, %broadcast_in_dim3A_314 : vector<16xi1>, vector<16xf32>
        %max3A_316 = arith.maximumf %while3A_302, %select_n3A_315 : vector<16xf32>
        scf.yield %max3A_316 : vector<16xf32>
      }
      %reduce_max3A = arith.constant true
      %reduce_max3A_291 = vector.broadcast %reduce_max3A : i1 to vector<16xi1>
      %reduce_max3A_292 = tpu.scan <max>, %while3A_290 masked %reduce_max3A_291 : vector<16xf32>, vector<16xi1> -> vector<16xf32>
      %reduce_max3A_293 = vector.extract %reduce_max3A_292[15] : f32 from vector<16xf32>
      %eq3A_294 = vector.broadcast %squeeze3A_219 : i32 to vector<16xi32>
      %eq3A_295 = arith.cmpi eq, %iota3A_21, %eq3A_294 : vector<16xi32>
      %add3A_296 = arith.constant 1.024000e+03 : f32
      %add3A_297 = arith.addf %reduce_max3A_293, %add3A_296 : f32
      %add3A_298 = vector.broadcast %add3A_297 : f32 to vector<16xf32>
      %add3A_299 = arith.addf %broadcast_in_dim3A_18, %add3A_298 : vector<16xf32>
      %select_n3A_300 = arith.select %eq3A_295, %add3A_299, %while3A_215 : vector<16xi1>, vector<16xf32>
      scf.yield %select_n3A_300 : vector<16xf32>
    }
    %while3A_98 = arith.constant 1 : i32
    %while3A_99 = scf.for %while3A_214 = %while3A_95 to %while3A_91 step %while3A_98 iter_args(%while3A_215 = %while3A_97) -> (vector<16xf32>)  : i32 {
      %get3A_216 = arith.index_cast %while3A_214 : i32 to index
      %get3A_217 = tpu.vector_load %arg15[%get3A_216] {strides = array<i32>} : memref<96xi32, #tpu.memory_space<vmem>>, vector<16xi32>,
      %slice3A_218 = vector.extract_strided_slice %get3A_217 {offsets = [0], sizes = [1], strides = [1]} : vector<16xi32> to vector<1xi32>
      %squeeze3A_219 = vector.extract %slice3A_218[0] : i32 from vector<1xi32>
      %add3A_220 = arith.constant 16 : i32
      %add3A_221 = arith.addi %add3A_220, %while3A_214 : i32
      %get3A_222 = arith.index_cast %add3A_221 : i32 to index
      %get3A_223 = tpu.vector_load %arg15[%get3A_222] {strides = array<i32>} : memref<96xi32, #tpu.memory_space<vmem>>, vector<16xi32>,
      %slice3A_224 = vector.extract_strided_slice %get3A_223 {offsets = [0], sizes = [1], strides = [1]} : vector<16xi32> to vector<1xi32>
      %squeeze3A_225 = vector.extract %slice3A_224[0] : i32 from vector<1xi32>
      %add3A_226 = arith.constant 32 : i32
      %add3A_227 = arith.addi %add3A_226, %while3A_214 : i32
      %get3A_228 = arith.index_cast %add3A_227 : i32 to index
      %get3A_229 = tpu.vector_load %arg15[%get3A_228] {strides = array<i32>} : memref<96xi32, #tpu.memory_space<vmem>>, vector<16xi32>,
      %slice3A_230 = vector.extract_strided_slice %get3A_229 {offsets = [0], sizes = [1], strides = [1]} : vector<16xi32> to vector<1xi32>
      %squeeze3A_231 = vector.extract %slice3A_230[0] : i32 from vector<1xi32>
      %jit3A_232 = arith.constant 16 : i32
      %div3A_233 = arith.divsi %squeeze3A_225, %jit3A_232 : i32
      %sign3A = arith.constant 0 : i32
      %sign3A_234 = arith.cmpi sgt, %squeeze3A_225, %sign3A : i32
      %sign3A_235 = arith.extui %sign3A_234 : i1 to i32
      %sign3A_236 = arith.constant 0 : i32
      %sign3A_237 = arith.cmpi slt, %squeeze3A_225, %sign3A_236 : i32
      %sign3A_238 = arith.extui %sign3A_237 : i1 to i32
      %sign3A_239 = arith.subi %sign3A_235, %sign3A_238 : i32
      %sign3A_240 = arith.constant 0 : i32
      %sign3A_241 = arith.cmpi sgt, %jit3A_232, %sign3A_240 : i32
      %sign3A_242 = arith.extui %sign3A_241 : i1 to i32
      %sign3A_243 = arith.constant 0 : i32
      %sign3A_244 = arith.cmpi slt, %jit3A_232, %sign3A_243 : i32
      %sign3A_245 = arith.extui %sign3A_244 : i1 to i32
      %sign3A_246 = arith.subi %sign3A_242, %sign3A_245 : i32
      %ne3A = arith.cmpi ne, %sign3A_239, %sign3A_246 : i32
      %rem3A = arith.remsi %squeeze3A_225, %jit3A_232 : i32
      %ne3A_247 = arith.constant 0 : i32
      %ne3A_248 = arith.cmpi ne, %rem3A, %ne3A_247 : i32
      %and3A = arith.andi %ne3A, %ne3A_248 : i1
      %sub3A_249 = arith.constant 1 : i32
      %sub3A_250 = arith.subi %div3A_233, %sub3A_249 : i32
      %select_n3A = arith.select %and3A, %sub3A_250, %div3A_233 : i32
      %add3A_251 = arith.constant 16 : i32
      %add3A_252 = arith.addi %squeeze3A_231, %add3A_251 : i32
      %sub3A_253 = arith.constant 1 : i32
      %sub3A_254 = arith.subi %add3A_252, %sub3A_253 : i32
      %jit3A_255 = arith.constant 16 : i32
      %div3A_256 = arith.divsi %sub3A_254, %jit3A_255 : i32
      %sign3A_257 = arith.constant 0 : i32
      %sign3A_258 = arith.cmpi sgt, %sub3A_254, %sign3A_257 : i32
      %sign3A_259 = arith.extui %sign3A_258 : i1 to i32
      %sign3A_260 = arith.constant 0 : i32
      %sign3A_261 = arith.cmpi slt, %sub3A_254, %sign3A_260 : i32
      %sign3A_262 = arith.extui %sign3A_261 : i1 to i32
      %sign3A_263 = arith.subi %sign3A_259, %sign3A_262 : i32
      %sign3A_264 = arith.constant 0 : i32
      %sign3A_265 = arith.cmpi sgt, %jit3A_255, %sign3A_264 : i32
      %sign3A_266 = arith.extui %sign3A_265 : i1 to i32
      %sign3A_267 = arith.constant 0 : i32
      %sign3A_268 = arith.cmpi slt, %jit3A_255, %sign3A_267 : i32
      %sign3A_269 = arith.extui %sign3A_268 : i1 to i32
      %sign3A_270 = arith.subi %sign3A_266, %sign3A_269 : i32
      %ne3A_271 = arith.cmpi ne, %sign3A_263, %sign3A_270 : i32
      %rem3A_272 = arith.remsi %sub3A_254, %jit3A_255 : i32
      %ne3A_273 = arith.constant 0 : i32
      %ne3A_274 = arith.cmpi ne, %rem3A_272, %ne3A_273 : i32
      %and3A_275 = arith.andi %ne3A_271, %ne3A_274 : i1
      %sub3A_276 = arith.constant 1 : i32
      %sub3A_277 = arith.subi %div3A_256, %sub3A_276 : i32
      %select_n3A_278 = arith.select %and3A_275, %sub3A_277, %div3A_256 : i32
      %broadcast_in_dim3A_279 = arith.constant -3.000000e+38 : f32
      %broadcast_in_dim3A_280 = vector.broadcast %broadcast_in_dim3A_279 : f32 to vector<16xf32>
      %while3A_281 = arith.subi %select_n3A_278, %select_n3A : i32
      %while3A_282 = arith.addi %select_n3A, %while3A_281 : i32
      %while3A_283 = arith.constant 1 : i32
      %while3A_284 = arith.divsi %while3A_281, %while3A_283 : i32
      %while3A_285 = arith.muli %while3A_284, %while3A_283 : i32
      %while3A_286 = arith.addi %select_n3A, %while3A_285 : i32
      %while3A_287 = arith.constant 1 : i32
      %while3A_288 = scf.for %while3A_301 = %select_n3A to %while3A_286 step %while3A_287 iter_args(%while3A_302 = %broadcast_in_dim3A_280) -> (vector<16xf32>)  : i32 {
        %mul3A_303 = arith.constant 16 : i32
        %mul3A_304 = arith.muli %while3A_301, %mul3A_303 : i32
        %get3A_305 = arith.index_cast %mul3A_304 : i32 to index
        %get3A_306 = tpu.vector_load %arg5[%get3A_305] {strides = array<i32>} : memref<2048xf32, #tpu.memory_space<vmem>>, vector<16xf32>,
        %add3A_307 = vector.broadcast %mul3A_304 : i32 to vector<16xi32>
        %add3A_308 = arith.addi %add3A_307, %iota3A_21 : vector<16xi32>
        %ge3A = vector.broadcast %squeeze3A_225 : i32 to vector<16xi32>
        %ge3A_309 = arith.cmpi sge, %add3A_308, %ge3A : vector<16xi32>
        %lt3A_310 = vector.broadcast %squeeze3A_231 : i32 to vector<16xi32>
        %lt3A_311 = arith.cmpi slt, %add3A_308, %lt3A_310 : vector<16xi32>
        %and3A_312 = arith.andi %ge3A_309, %lt3A_311 : vector<16xi1>
        %jit3A_313 = arith.constant -3.000000e+38 : f32
        %broadcast_in_dim3A_314 = vector.broadcast %jit3A_313 : f32 to vector<16xf32>
        %select_n3A_315 = arith.select %and3A_312, %get3A_306, %broadcast_in_dim3A_314 : vector<16xi1>, vector<16xf32>
        %max3A_316 = arith.maximumf %while3A_302, %select_n3A_315 : vector<16xf32>
        scf.yield %max3A_316 : vector<16xf32>
      }
      %while3A_289 = arith.constant 1 : i32
      %while3A_290 = scf.for %while3A_301 = %while3A_286 to %while3A_282 step %while3A_289 iter_args(%while3A_302 = %while3A_288) -> (vector<16xf32>)  : i32 {
        %mul3A_303 = arith.constant 16 : i32
        %mul3A_304 = arith.muli %while3A_301, %mul3A_303 : i32
        %get3A_305 = arith.index_cast %mul3A_304 : i32 to index
        %get3A_306 = tpu.vector_load %arg5[%get3A_305] {strides = array<i32>} : memref<2048xf32, #tpu.memory_space<vmem>>, vector<16xf32>,
        %add3A_307 = vector.broadcast %mul3A_304 : i32 to vector<16xi32>
        %add3A_308 = arith.addi %add3A_307, %iota3A_21 : vector<16xi32>
        %ge3A = vector.broadcast %squeeze3A_225 : i32 to vector<16xi32>
        %ge3A_309 = arith.cmpi sge, %add3A_308, %ge3A : vector<16xi32>
        %lt3A_310 = vector.broadcast %squeeze3A_231 : i32 to vector<16xi32>
        %lt3A_311 = arith.cmpi slt, %add3A_308, %lt3A_310 : vector<16xi32>
        %and3A_312 = arith.andi %ge3A_309, %lt3A_311 : vector<16xi1>
        %jit3A_313 = arith.constant -3.000000e+38 : f32
        %broadcast_in_dim3A_314 = vector.broadcast %jit3A_313 : f32 to vector<16xf32>
        %select_n3A_315 = arith.select %and3A_312, %get3A_306, %broadcast_in_dim3A_314 : vector<16xi1>, vector<16xf32>
        %max3A_316 = arith.maximumf %while3A_302, %select_n3A_315 : vector<16xf32>
        scf.yield %max3A_316 : vector<16xf32>
      }
      %reduce_max3A = arith.constant true
      %reduce_max3A_291 = vector.broadcast %reduce_max3A : i1 to vector<16xi1>
      %reduce_max3A_292 = tpu.scan <max>, %while3A_290 masked %reduce_max3A_291 : vector<16xf32>, vector<16xi1> -> vector<16xf32>
      %reduce_max3A_293 = vector.extract %reduce_max3A_292[15] : f32 from vector<16xf32>
      %eq3A_294 = vector.broadcast %squeeze3A_219 : i32 to vector<16xi32>
      %eq3A_295 = arith.cmpi eq, %iota3A_21, %eq3A_294 : vector<16xi32>
      %add3A_296 = arith.constant 1.024000e+03 : f32
      %add3A_297 = arith.addf %reduce_max3A_293, %add3A_296 : f32
      %add3A_298 = vector.broadcast %add3A_297 : f32 to vector<16xf32>
      %add3A_299 = arith.addf %broadcast_in_dim3A_18, %add3A_298 : vector<16xf32>
      %select_n3A_300 = arith.select %eq3A_295, %add3A_299, %while3A_215 : vector<16xi1>, vector<16xf32>
      scf.yield %select_n3A_300 : vector<16xf32>
    }
    %swap3A_100 = arith.constant 0 : index
    %swap3A_101 = tpu.vector_load %arg18[%swap3A_100] {strides = array<i32>} : memref<16xf32, #tpu.memory_space<vmem>>, vector<16xf32>,
    tpu.vector_store %arg18[%swap3A_100], %while3A_99 {strides = array<i32>} : memref<16xf32, #tpu.memory_space<vmem>>, vector<16xf32>,
    %mul3A_102 = arith.constant 16 : i32
    %mul3A_103 = arith.muli %arg1, %mul3A_102 : i32
    %add3A_104 = vector.broadcast %mul3A_103 : i32 to vector<16xi32>
    %add3A_105 = arith.addi %add3A_104, %iota3A_21 : vector<16xi32>
    %swap3A_106 = arith.constant 0 : index
    %swap3A_107 = tpu.vector_load %arg19[%swap3A_106] {strides = array<i32>} : memref<16xi32, #tpu.memory_space<vmem>>, vector<16xi32>,
    tpu.vector_store %arg19[%swap3A_106], %add3A_105 {strides = array<i32>} : memref<16xi32, #tpu.memory_space<vmem>>, vector<16xi32>,
    "tpu.region"() ({
      %run_scoped3A = tpu.sem_alloc : memref<!tpu.dma_semaphore, #tpu.memory_space<semaphore_mem>>
      %dma_start3A_214 = arith.constant 0 : i32
      %dma_start3A_215 = tpu.memref_slice %arg16[%dma_start3A_214] : memref<256xf32, #tpu.memory_space<vmem_shared>> -> memref<256xf32, #tpu.memory_space<vmem_shared>>
      tpu.enqueue_indirect_dma source(%arg18 : memref<16xf32, #tpu.memory_space<vmem>>) target(%dma_start3A_215 : memref<256xf32, #tpu.memory_space<vmem_shared>>) offsets(%arg19 : memref<16xi32, #tpu.memory_space<vmem>>) semaphore(%run_scoped3A : memref<!tpu.dma_semaphore, #tpu.memory_space<semaphore_mem>>) {add = true}
      %dma_wait3A_216 = arith.constant 0 : i32
      %dma_wait3A_217 = tpu.memref_slice %arg16[%dma_wait3A_216] : memref<256xf32, #tpu.memory_space<vmem_shared>> -> memref<256xf32, #tpu.memory_space<vmem_shared>>
      tpu.wait_indirect_dma semaphore(%run_scoped3A : memref<!tpu.dma_semaphore, #tpu.memory_space<semaphore_mem>>) src(%arg18 : memref<16xf32, #tpu.memory_space<vmem>>) dst(%dma_wait3A_217 : memref<256xf32, #tpu.memory_space<vmem_shared>>)
      tpu.yield
    }) : () -> ()
    %barrier3A_108 = arith.constant 0 : index
    tpu.barrier barrier_id(%barrier3A_108)
    "tpu.region"() ({
      %run_scoped3A = tpu.sem_alloc : memref<!tpu.dma_semaphore, #tpu.memory_space<semaphore_mem>>
      tpu.enqueue_dma source(%arg16 : memref<256xf32, #tpu.memory_space<vmem_shared>>) target(%arg17 : memref<256xf32, #tpu.memory_space<vmem>>) target_semaphore(%run_scoped3A : memref<!tpu.dma_semaphore, #tpu.memory_space<semaphore_mem>>)
      tpu.wait_dma2 semaphore(%run_scoped3A : memref<!tpu.dma_semaphore, #tpu.memory_space<semaphore_mem>>) src(%arg16 : memref<256xf32, #tpu.memory_space<vmem_shared>>) dst(%arg17 : memref<256xf32, #tpu.memory_space<vmem>>)
      tpu.yield
    }) : () -> ()
    %get3A_109 = arith.constant 0 : index
    %get3A_110 = tpu.vector_load %arg17[%get3A_109] {strides = array<i32>} : memref<256xf32, #tpu.memory_space<vmem>>, vector<16xf32>,
    %get3A_111 = arith.constant 16 : index
    %get3A_112 = tpu.vector_load %arg17[%get3A_111] {strides = array<i32>} : memref<256xf32, #tpu.memory_space<vmem>>, vector<16xf32>,
    %max3A_113 = arith.maximumf %get3A_110, %get3A_112 : vector<16xf32>
    %get3A_114 = arith.constant 32 : index
    %get3A_115 = tpu.vector_load %arg17[%get3A_114] {strides = array<i32>} : memref<256xf32, #tpu.memory_space<vmem>>, vector<16xf32>,
    %max3A_116 = arith.maximumf %max3A_113, %get3A_115 : vector<16xf32>
    %get3A_117 = arith.constant 48 : index
    %get3A_118 = tpu.vector_load %arg17[%get3A_117] {strides = array<i32>} : memref<256xf32, #tpu.memory_space<vmem>>, vector<16xf32>,
    %max3A_119 = arith.maximumf %max3A_116, %get3A_118 : vector<16xf32>
    %get3A_120 = arith.constant 64 : index
    %get3A_121 = tpu.vector_load %arg17[%get3A_120] {strides = array<i32>} : memref<256xf32, #tpu.memory_space<vmem>>, vector<16xf32>,
    %max3A_122 = arith.maximumf %max3A_119, %get3A_121 : vector<16xf32>
    %get3A_123 = arith.constant 80 : index
    %get3A_124 = tpu.vector_load %arg17[%get3A_123] {strides = array<i32>} : memref<256xf32, #tpu.memory_space<vmem>>, vector<16xf32>,
    %max3A_125 = arith.maximumf %max3A_122, %get3A_124 : vector<16xf32>
    %get3A_126 = arith.constant 96 : index
    %get3A_127 = tpu.vector_load %arg17[%get3A_126] {strides = array<i32>} : memref<256xf32, #tpu.memory_space<vmem>>, vector<16xf32>,
    %max3A_128 = arith.maximumf %max3A_125, %get3A_127 : vector<16xf32>
    %get3A_129 = arith.constant 112 : index
    %get3A_130 = tpu.vector_load %arg17[%get3A_129] {strides = array<i32>} : memref<256xf32, #tpu.memory_space<vmem>>, vector<16xf32>,
    %max3A_131 = arith.maximumf %max3A_128, %get3A_130 : vector<16xf32>
    %get3A_132 = arith.constant 128 : index
    %get3A_133 = tpu.vector_load %arg17[%get3A_132] {strides = array<i32>} : memref<256xf32, #tpu.memory_space<vmem>>, vector<16xf32>,
    %max3A_134 = arith.maximumf %max3A_131, %get3A_133 : vector<16xf32>
    %get3A_135 = arith.constant 144 : index
    %get3A_136 = tpu.vector_load %arg17[%get3A_135] {strides = array<i32>} : memref<256xf32, #tpu.memory_space<vmem>>, vector<16xf32>,
    %max3A_137 = arith.maximumf %max3A_134, %get3A_136 : vector<16xf32>
    %get3A_138 = arith.constant 160 : index
    %get3A_139 = tpu.vector_load %arg17[%get3A_138] {strides = array<i32>} : memref<256xf32, #tpu.memory_space<vmem>>, vector<16xf32>,
    %max3A_140 = arith.maximumf %max3A_137, %get3A_139 : vector<16xf32>
    %get3A_141 = arith.constant 176 : index
    %get3A_142 = tpu.vector_load %arg17[%get3A_141] {strides = array<i32>} : memref<256xf32, #tpu.memory_space<vmem>>, vector<16xf32>,
    %max3A_143 = arith.maximumf %max3A_140, %get3A_142 : vector<16xf32>
    %get3A_144 = arith.constant 192 : index
    %get3A_145 = tpu.vector_load %arg17[%get3A_144] {strides = array<i32>} : memref<256xf32, #tpu.memory_space<vmem>>, vector<16xf32>,
    %max3A_146 = arith.maximumf %max3A_143, %get3A_145 : vector<16xf32>
    %get3A_147 = arith.constant 208 : index
    %get3A_148 = tpu.vector_load %arg17[%get3A_147] {strides = array<i32>} : memref<256xf32, #tpu.memory_space<vmem>>, vector<16xf32>,
    %max3A_149 = arith.maximumf %max3A_146, %get3A_148 : vector<16xf32>
    %get3A_150 = arith.constant 224 : index
    %get3A_151 = tpu.vector_load %arg17[%get3A_150] {strides = array<i32>} : memref<256xf32, #tpu.memory_space<vmem>>, vector<16xf32>,
    %max3A_152 = arith.maximumf %max3A_149, %get3A_151 : vector<16xf32>
    %get3A_153 = arith.constant 240 : index
    %get3A_154 = tpu.vector_load %arg17[%get3A_153] {strides = array<i32>} : memref<256xf32, #tpu.memory_space<vmem>>, vector<16xf32>,
    %max3A_155 = arith.maximumf %max3A_152, %get3A_154 : vector<16xf32>
    %sub3A_156 = arith.constant 1.025000e+03 : f32
    %sub3A_157 = vector.broadcast %sub3A_156 : f32 to vector<16xf32>
    %sub3A_158 = arith.subf %max3A_155, %sub3A_157 : vector<16xf32>
    %swap3A_159 = arith.constant 0 : index
    %swap3A_160 = tpu.vector_load %arg9[%swap3A_159] {strides = array<i32>} : memref<16xf32, #tpu.memory_space<vmem>>, vector<16xf32>,
    tpu.vector_store %arg9[%swap3A_159], %sub3A_158 {strides = array<i32>} : memref<16xf32, #tpu.memory_space<vmem>>, vector<16xf32>,
    %swap3A_161 = arith.constant 0 : index
    %swap3A_162 = tpu.vector_load %arg10[%swap3A_161] {strides = array<i32>} : memref<32xf32, #tpu.memory_space<vmem>>, vector<16xf32>,
    tpu.vector_store %arg10[%swap3A_161], %broadcast_in_dim3A_18 {strides = array<i32>} : memref<32xf32, #tpu.memory_space<vmem>>, vector<16xf32>,
    %swap3A_163 = arith.constant 16 : index
    %swap3A_164 = tpu.vector_load %arg10[%swap3A_163] {strides = array<i32>} : memref<32xf32, #tpu.memory_space<vmem>>, vector<16xf32>,
    tpu.vector_store %arg10[%swap3A_163], %broadcast_in_dim3A_18 {strides = array<i32>} : memref<32xf32, #tpu.memory_space<vmem>>, vector<16xf32>,
    %eq3A_165 = arith.constant 0 : i32
    %eq3A_166 = vector.broadcast %eq3A_165 : i32 to vector<16xi32>
    %eq3A_167 = arith.cmpi eq, %iota3A_21, %eq3A_166 : vector<16xi32>
    %while3A_168 = arith.constant 0 : i32
    %while3A_169 = arith.constant 0 : i32
    %while3A_170 = arith.subi %squeeze3A, %while3A_168 : i32
    %while3A_171 = arith.addi %while3A_168, %while3A_170 : i32
    %while3A_172 = arith.constant 1 : i32
    %while3A_173 = arith.divsi %while3A_170, %while3A_172 : i32
    %while3A_174 = arith.muli %while3A_173, %while3A_172 : i32
    %while3A_175 = arith.addi %while3A_168, %while3A_174 : i32
    %while3A_176 = arith.constant 1 : i32
    %while3A_177:3 = scf.for %while3A_214 = %while3A_168 to %while3A_175 step %while3A_176 iter_args(%while3A_215 = %while3A_169, %while3A_216 = %broadcast_in_dim3A_20, %while3A_217 = %broadcast_in_dim3A_20) -> (i32, vector<16xi32>, vector<16xi32>)  : i32 {
      %get3A_218 = arith.index_cast %while3A_214 : i32 to index
      %get3A_219 = tpu.vector_load %arg15[%get3A_218] {strides = array<i32>} : memref<96xi32, #tpu.memory_space<vmem>>, vector<16xi32>,
      %slice3A_220 = vector.extract_strided_slice %get3A_219 {offsets = [0], sizes = [1], strides = [1]} : vector<16xi32> to vector<1xi32>
      %squeeze3A_221 = vector.extract %slice3A_220[0] : i32 from vector<1xi32>
      %add3A_222 = arith.constant 16 : i32
      %add3A_223 = arith.addi %add3A_222, %while3A_214 : i32
      %get3A_224 = arith.index_cast %add3A_223 : i32 to index
      %get3A_225 = tpu.vector_load %arg15[%get3A_224] {strides = array<i32>} : memref<96xi32, #tpu.memory_space<vmem>>, vector<16xi32>,
      %slice3A_226 = vector.extract_strided_slice %get3A_225 {offsets = [0], sizes = [1], strides = [1]} : vector<16xi32> to vector<1xi32>
      %squeeze3A_227 = vector.extract %slice3A_226[0] : i32 from vector<1xi32>
      %add3A_228 = arith.constant 32 : i32
      %add3A_229 = arith.addi %add3A_228, %while3A_214 : i32
      %get3A_230 = arith.index_cast %add3A_229 : i32 to index
      %get3A_231 = tpu.vector_load %arg15[%get3A_230] {strides = array<i32>} : memref<96xi32, #tpu.memory_space<vmem>>, vector<16xi32>,
      %slice3A_232 = vector.extract_strided_slice %get3A_231 {offsets = [0], sizes = [1], strides = [1]} : vector<16xi32> to vector<1xi32>
      %squeeze3A_233 = vector.extract %slice3A_232[0] : i32 from vector<1xi32>
      %get3A_234 = arith.index_cast %squeeze3A_221 : i32 to index
      %get3A_235 = tpu.vector_load %arg9[%get3A_234] {strides = array<i32>} : memref<16xf32, #tpu.memory_space<vmem>>, vector<16xf32>,
      %slice3A_236 = vector.extract_strided_slice %get3A_235 {offsets = [0], sizes = [1], strides = [1]} : vector<16xf32> to vector<1xf32>
      %squeeze3A_237 = vector.extract %slice3A_236[0] : f32 from vector<1xf32>
      %add3A_238 = vector.broadcast %squeeze3A_237 : f32 to vector<16xf32>
      %add3A_239 = arith.addf %broadcast_in_dim3A_18, %add3A_238 : vector<16xf32>
      %eq3A_240 = vector.broadcast %while3A_214 : i32 to vector<16xi32>
      %eq3A_241 = arith.cmpi eq, %iota3A_21, %eq3A_240 : vector<16xi32>
      %add3A_242 = vector.broadcast %while3A_215 : i32 to vector<16xi32>
      %add3A_243 = arith.addi %broadcast_in_dim3A_20, %add3A_242 : vector<16xi32>
      %select_n3A = arith.select %eq3A_241, %add3A_243, %while3A_216 : vector<16xi1>, vector<16xi32>
      %jit3A_244 = arith.constant 16 : i32
      %div3A_245 = arith.divsi %squeeze3A_227, %jit3A_244 : i32
      %sign3A = arith.constant 0 : i32
      %sign3A_246 = arith.cmpi sgt, %squeeze3A_227, %sign3A : i32
      %sign3A_247 = arith.extui %sign3A_246 : i1 to i32
      %sign3A_248 = arith.constant 0 : i32
      %sign3A_249 = arith.cmpi slt, %squeeze3A_227, %sign3A_248 : i32
      %sign3A_250 = arith.extui %sign3A_249 : i1 to i32
      %sign3A_251 = arith.subi %sign3A_247, %sign3A_250 : i32
      %sign3A_252 = arith.constant 0 : i32
      %sign3A_253 = arith.cmpi sgt, %jit3A_244, %sign3A_252 : i32
      %sign3A_254 = arith.extui %sign3A_253 : i1 to i32
      %sign3A_255 = arith.constant 0 : i32
      %sign3A_256 = arith.cmpi slt, %jit3A_244, %sign3A_255 : i32
      %sign3A_257 = arith.extui %sign3A_256 : i1 to i32
      %sign3A_258 = arith.subi %sign3A_254, %sign3A_257 : i32
      %ne3A = arith.cmpi ne, %sign3A_251, %sign3A_258 : i32
      %rem3A = arith.remsi %squeeze3A_227, %jit3A_244 : i32
      %ne3A_259 = arith.constant 0 : i32
      %ne3A_260 = arith.cmpi ne, %rem3A, %ne3A_259 : i32
      %and3A = arith.andi %ne3A, %ne3A_260 : i1
      %sub3A_261 = arith.constant 1 : i32
      %sub3A_262 = arith.subi %div3A_245, %sub3A_261 : i32
      %select_n3A_263 = arith.select %and3A, %sub3A_262, %div3A_245 : i32
      %add3A_264 = arith.constant 16 : i32
      %add3A_265 = arith.addi %squeeze3A_233, %add3A_264 : i32
      %sub3A_266 = arith.constant 1 : i32
      %sub3A_267 = arith.subi %add3A_265, %sub3A_266 : i32
      %jit3A_268 = arith.constant 16 : i32
      %div3A_269 = arith.divsi %sub3A_267, %jit3A_268 : i32
      %sign3A_270 = arith.constant 0 : i32
      %sign3A_271 = arith.cmpi sgt, %sub3A_267, %sign3A_270 : i32
      %sign3A_272 = arith.extui %sign3A_271 : i1 to i32
      %sign3A_273 = arith.constant 0 : i32
      %sign3A_274 = arith.cmpi slt, %sub3A_267, %sign3A_273 : i32
      %sign3A_275 = arith.extui %sign3A_274 : i1 to i32
      %sign3A_276 = arith.subi %sign3A_272, %sign3A_275 : i32
      %sign3A_277 = arith.constant 0 : i32
      %sign3A_278 = arith.cmpi sgt, %jit3A_268, %sign3A_277 : i32
      %sign3A_279 = arith.extui %sign3A_278 : i1 to i32
      %sign3A_280 = arith.constant 0 : i32
      %sign3A_281 = arith.cmpi slt, %jit3A_268, %sign3A_280 : i32
      %sign3A_282 = arith.extui %sign3A_281 : i1 to i32
      %sign3A_283 = arith.subi %sign3A_279, %sign3A_282 : i32
      %ne3A_284 = arith.cmpi ne, %sign3A_276, %sign3A_283 : i32
      %rem3A_285 = arith.remsi %sub3A_267, %jit3A_268 : i32
      %ne3A_286 = arith.constant 0 : i32
      %ne3A_287 = arith.cmpi ne, %rem3A_285, %ne3A_286 : i32
      %and3A_288 = arith.andi %ne3A_284, %ne3A_287 : i1
      %sub3A_289 = arith.constant 1 : i32
      %sub3A_290 = arith.subi %div3A_269, %sub3A_289 : i32
      %select_n3A_291 = arith.select %and3A_288, %sub3A_290, %div3A_269 : i32
      %while3A_292 = arith.subi %select_n3A_291, %select_n3A_263 : i32
      %while3A_293 = arith.addi %select_n3A_263, %while3A_292 : i32
      %while3A_294 = arith.constant 1 : i32
      %while3A_295 = arith.divsi %while3A_292, %while3A_294 : i32
      %while3A_296 = arith.muli %while3A_295, %while3A_294 : i32
      %while3A_297 = arith.addi %select_n3A_263, %while3A_296 : i32
      %while3A_298 = arith.constant 1 : i32
      %while3A_299:3 = scf.for %while3A_325 = %select_n3A_263 to %while3A_297 step %while3A_298 iter_args(%while3A_326 = %while3A_215, %while3A_327 = %broadcast_in_dim3A_18, %while3A_328 = %broadcast_in_dim3A_20) -> (i32, vector<16xf32>, vector<16xi32>)  : i32 {
        %mul3A_329 = arith.constant 16 : i32
        %mul3A_330 = arith.muli %while3A_325, %mul3A_329 : i32
        %get3A_331 = arith.index_cast %mul3A_330 : i32 to index
        %get3A_332 = tpu.vector_load %arg5[%get3A_331] {strides = array<i32>} : memref<2048xf32, #tpu.memory_space<vmem>>, vector<16xf32>,
        %add3A_333 = vector.broadcast %mul3A_330 : i32 to vector<16xi32>
        %add3A_334 = arith.addi %add3A_333, %iota3A_21 : vector<16xi32>
        %ge3A = vector.broadcast %squeeze3A_227 : i32 to vector<16xi32>
        %ge3A_335 = arith.cmpi sge, %add3A_334, %ge3A : vector<16xi32>
        %lt3A_336 = vector.broadcast %squeeze3A_233 : i32 to vector<16xi32>
        %lt3A_337 = arith.cmpi slt, %add3A_334, %lt3A_336 : vector<16xi32>
        %and3A_338 = arith.andi %ge3A_335, %lt3A_337 : vector<16xi1>
        %gt3A_339 = arith.cmpf ogt, %get3A_332, %add3A_239 : vector<16xf32>
        %and3A_340 = arith.andi %and3A_338, %gt3A_339 : vector<16xi1>
        %swap3A_341 = arith.index_cast %while3A_326 : i32 to index
        %swap3A_342 = tpu.vector_load %arg8[%swap3A_341] masked %and3A_340 {strides = array<i32>} : memref<2064xf32, #tpu.memory_space<vmem>>, vector<16xf32>, vector<16xi1>
        tpu.vector_store %arg8[%swap3A_341], %get3A_332 masked %and3A_340 {strides = array<i32>} : memref<2064xf32, #tpu.memory_space<vmem>>, vector<16xf32>, vector<16xi1>
        %jit3A_343 = arith.constant 0.000000e+00 : f32
        %broadcast_in_dim3A_344 = vector.broadcast %jit3A_343 : f32 to vector<16xf32>
        %select_n3A_345 = arith.select %and3A_340, %get3A_332, %broadcast_in_dim3A_344 : vector<16xi1>, vector<16xf32>
        %add3A_346 = arith.addf %while3A_327, %select_n3A_345 : vector<16xf32>
        %convert_element_type3A_347 = arith.extui %and3A_340 : vector<16xi1> to vector<16xi32>
        %add3A_348 = arith.addi %while3A_328, %convert_element_type3A_347 : vector<16xi32>
        %all_reduce_population_count3A_349 = tpu.all_reduce %and3A_340 {dim = 0 : i64, kind = #tpu.reduction_kind<sum>} : vector<16xi1> -> vector<16xi32>
        %slice3A_350 = vector.extract_strided_slice %all_reduce_population_count3A_349 {offsets = [0], sizes = [1], strides = [1]} : vector<16xi32> to vector<1xi32>
        %squeeze3A_351 = vector.extract %slice3A_350[0] : i32 from vector<1xi32>
        %add3A_352 = arith.addi %while3A_326, %squeeze3A_351 : i32
        scf.yield %add3A_352, %add3A_346, %add3A_348 : i32, vector<16xf32>, vector<16xi32>
      }
      %while3A_300 = arith.constant 1 : i32
      %while3A_301:3 = scf.for %while3A_325 = %while3A_297 to %while3A_293 step %while3A_300 iter_args(%while3A_326 = %while3A_299#0, %while3A_327 = %while3A_299#1, %while3A_328 = %while3A_299#2) -> (i32, vector<16xf32>, vector<16xi32>)  : i32 {
        %mul3A_329 = arith.constant 16 : i32
        %mul3A_330 = arith.muli %while3A_325, %mul3A_329 : i32
        %get3A_331 = arith.index_cast %mul3A_330 : i32 to index
        %get3A_332 = tpu.vector_load %arg5[%get3A_331] {strides = array<i32>} : memref<2048xf32, #tpu.memory_space<vmem>>, vector<16xf32>,
        %add3A_333 = vector.broadcast %mul3A_330 : i32 to vector<16xi32>
        %add3A_334 = arith.addi %add3A_333, %iota3A_21 : vector<16xi32>
        %ge3A = vector.broadcast %squeeze3A_227 : i32 to vector<16xi32>
        %ge3A_335 = arith.cmpi sge, %add3A_334, %ge3A : vector<16xi32>
        %lt3A_336 = vector.broadcast %squeeze3A_233 : i32 to vector<16xi32>
        %lt3A_337 = arith.cmpi slt, %add3A_334, %lt3A_336 : vector<16xi32>
        %and3A_338 = arith.andi %ge3A_335, %lt3A_337 : vector<16xi1>
        %gt3A_339 = arith.cmpf ogt, %get3A_332, %add3A_239 : vector<16xf32>
        %and3A_340 = arith.andi %and3A_338, %gt3A_339 : vector<16xi1>
        %swap3A_341 = arith.index_cast %while3A_326 : i32 to index
        %swap3A_342 = tpu.vector_load %arg8[%swap3A_341] masked %and3A_340 {strides = array<i32>} : memref<2064xf32, #tpu.memory_space<vmem>>, vector<16xf32>, vector<16xi1>
        tpu.vector_store %arg8[%swap3A_341], %get3A_332 masked %and3A_340 {strides = array<i32>} : memref<2064xf32, #tpu.memory_space<vmem>>, vector<16xf32>, vector<16xi1>
        %jit3A_343 = arith.constant 0.000000e+00 : f32
        %broadcast_in_dim3A_344 = vector.broadcast %jit3A_343 : f32 to vector<16xf32>
        %select_n3A_345 = arith.select %and3A_340, %get3A_332, %broadcast_in_dim3A_344 : vector<16xi1>, vector<16xf32>
        %add3A_346 = arith.addf %while3A_327, %select_n3A_345 : vector<16xf32>
        %convert_element_type3A_347 = arith.extui %and3A_340 : vector<16xi1> to vector<16xi32>
        %add3A_348 = arith.addi %while3A_328, %convert_element_type3A_347 : vector<16xi32>
        %all_reduce_population_count3A_349 = tpu.all_reduce %and3A_340 {dim = 0 : i64, kind = #tpu.reduction_kind<sum>} : vector<16xi1> -> vector<16xi32>
        %slice3A_350 = vector.extract_strided_slice %all_reduce_population_count3A_349 {offsets = [0], sizes = [1], strides = [1]} : vector<16xi32> to vector<1xi32>
        %squeeze3A_351 = vector.extract %slice3A_350[0] : i32 from vector<1xi32>
        %add3A_352 = arith.addi %while3A_326, %squeeze3A_351 : i32
        scf.yield %add3A_352, %add3A_346, %add3A_348 : i32, vector<16xf32>, vector<16xi32>
      }
      %add3A_302 = vector.broadcast %squeeze3A_221 : i32 to vector<16xi32>
      %add3A_303 = arith.addi %broadcast_in_dim3A_20, %add3A_302 : vector<16xi32>
      %reduce_sum3A = arith.constant true
      %reduce_sum3A_304 = vector.broadcast %reduce_sum3A : i1 to vector<16xi1>
      %reduce_sum3A_305 = tpu.scan <sum>, %while3A_301#1 masked %reduce_sum3A_304 : vector<16xf32>, vector<16xi1> -> vector<16xf32>
      %reduce_sum3A_306 = vector.extract %reduce_sum3A_305[15] : f32 from vector<16xf32>
      %add3A_307 = vector.broadcast %reduce_sum3A_306 : f32 to vector<16xf32>
      %add3A_308 = arith.addf %broadcast_in_dim3A_18, %add3A_307 : vector<16xf32>
      tpu.vector_store_idx %arg10[%add3A_303], %add3A_308 masked %eq3A_167 {add = true} : memref<32xf32, #tpu.memory_space<vmem>>[vector<16xi32>], vector<16xf32>, vector<16xi1>
      %add3A_309 = arith.constant 16 : i32
      %add3A_310 = arith.addi %add3A_309, %squeeze3A_221 : i32
      %add3A_311 = vector.broadcast %add3A_310 : i32 to vector<16xi32>
      %add3A_312 = arith.addi %broadcast_in_dim3A_20, %add3A_311 : vector<16xi32>
      %reduce_sum3A_313 = arith.constant true
      %reduce_sum3A_314 = vector.broadcast %reduce_sum3A_313 : i1 to vector<16xi1>
      %reduce_sum3A_315 = tpu.scan <sum>, %while3A_301#2 masked %reduce_sum3A_314 : vector<16xi32>, vector<16xi1> -> vector<16xi32>
      %reduce_sum3A_316 = vector.extract %reduce_sum3A_315[15] : i32 from vector<16xi32>
      %convert_element_type3A_317 = arith.sitofp %reduce_sum3A_316 : i32 to f32
      %add3A_318 = vector.broadcast %convert_element_type3A_317 : f32 to vector<16xf32>
      %add3A_319 = arith.addf %broadcast_in_dim3A_18, %add3A_318 : vector<16xf32>
      tpu.vector_store_idx %arg10[%add3A_312], %add3A_319 masked %eq3A_167 {add = true} : memref<32xf32, #tpu.memory_space<vmem>>[vector<16xi32>], vector<16xf32>, vector<16xi1>
      %eq3A_320 = vector.broadcast %while3A_214 : i32 to vector<16xi32>
      %eq3A_321 = arith.cmpi eq, %iota3A_21, %eq3A_320 : vector<16xi32>
      %add3A_322 = vector.broadcast %while3A_301#0 : i32 to vector<16xi32>
      %add3A_323 = arith.addi %broadcast_in_dim3A_20, %add3A_322 : vector<16xi32>
      %select_n3A_324 = arith.select %eq3A_321, %add3A_323, %while3A_217 : vector<16xi1>, vector<16xi32>
      scf.yield %while3A_301#0, %select_n3A, %select_n3A_324 : i32, vector<16xi32>, vector<16xi32>
    }
    %while3A_178 = arith.constant 1 : i32
    %while3A_179:3 = scf.for %while3A_214 = %while3A_175 to %while3A_171 step %while3A_178 iter_args(%while3A_215 = %while3A_177#0, %while3A_216 = %while3A_177#1, %while3A_217 = %while3A_177#2) -> (i32, vector<16xi32>, vector<16xi32>)  : i32 {
      %get3A_218 = arith.index_cast %while3A_214 : i32 to index
      %get3A_219 = tpu.vector_load %arg15[%get3A_218] {strides = array<i32>} : memref<96xi32, #tpu.memory_space<vmem>>, vector<16xi32>,
      %slice3A_220 = vector.extract_strided_slice %get3A_219 {offsets = [0], sizes = [1], strides = [1]} : vector<16xi32> to vector<1xi32>
      %squeeze3A_221 = vector.extract %slice3A_220[0] : i32 from vector<1xi32>
      %add3A_222 = arith.constant 16 : i32
      %add3A_223 = arith.addi %add3A_222, %while3A_214 : i32
      %get3A_224 = arith.index_cast %add3A_223 : i32 to index
      %get3A_225 = tpu.vector_load %arg15[%get3A_224] {strides = array<i32>} : memref<96xi32, #tpu.memory_space<vmem>>, vector<16xi32>,
      %slice3A_226 = vector.extract_strided_slice %get3A_225 {offsets = [0], sizes = [1], strides = [1]} : vector<16xi32> to vector<1xi32>
      %squeeze3A_227 = vector.extract %slice3A_226[0] : i32 from vector<1xi32>
      %add3A_228 = arith.constant 32 : i32
      %add3A_229 = arith.addi %add3A_228, %while3A_214 : i32
      %get3A_230 = arith.index_cast %add3A_229 : i32 to index
      %get3A_231 = tpu.vector_load %arg15[%get3A_230] {strides = array<i32>} : memref<96xi32, #tpu.memory_space<vmem>>, vector<16xi32>,
      %slice3A_232 = vector.extract_strided_slice %get3A_231 {offsets = [0], sizes = [1], strides = [1]} : vector<16xi32> to vector<1xi32>
      %squeeze3A_233 = vector.extract %slice3A_232[0] : i32 from vector<1xi32>
      %get3A_234 = arith.index_cast %squeeze3A_221 : i32 to index
      %get3A_235 = tpu.vector_load %arg9[%get3A_234] {strides = array<i32>} : memref<16xf32, #tpu.memory_space<vmem>>, vector<16xf32>,
      %slice3A_236 = vector.extract_strided_slice %get3A_235 {offsets = [0], sizes = [1], strides = [1]} : vector<16xf32> to vector<1xf32>
      %squeeze3A_237 = vector.extract %slice3A_236[0] : f32 from vector<1xf32>
      %add3A_238 = vector.broadcast %squeeze3A_237 : f32 to vector<16xf32>
      %add3A_239 = arith.addf %broadcast_in_dim3A_18, %add3A_238 : vector<16xf32>
      %eq3A_240 = vector.broadcast %while3A_214 : i32 to vector<16xi32>
      %eq3A_241 = arith.cmpi eq, %iota3A_21, %eq3A_240 : vector<16xi32>
      %add3A_242 = vector.broadcast %while3A_215 : i32 to vector<16xi32>
      %add3A_243 = arith.addi %broadcast_in_dim3A_20, %add3A_242 : vector<16xi32>
      %select_n3A = arith.select %eq3A_241, %add3A_243, %while3A_216 : vector<16xi1>, vector<16xi32>
      %jit3A_244 = arith.constant 16 : i32
      %div3A_245 = arith.divsi %squeeze3A_227, %jit3A_244 : i32
      %sign3A = arith.constant 0 : i32
      %sign3A_246 = arith.cmpi sgt, %squeeze3A_227, %sign3A : i32
      %sign3A_247 = arith.extui %sign3A_246 : i1 to i32
      %sign3A_248 = arith.constant 0 : i32
      %sign3A_249 = arith.cmpi slt, %squeeze3A_227, %sign3A_248 : i32
      %sign3A_250 = arith.extui %sign3A_249 : i1 to i32
      %sign3A_251 = arith.subi %sign3A_247, %sign3A_250 : i32
      %sign3A_252 = arith.constant 0 : i32
      %sign3A_253 = arith.cmpi sgt, %jit3A_244, %sign3A_252 : i32
      %sign3A_254 = arith.extui %sign3A_253 : i1 to i32
      %sign3A_255 = arith.constant 0 : i32
      %sign3A_256 = arith.cmpi slt, %jit3A_244, %sign3A_255 : i32
      %sign3A_257 = arith.extui %sign3A_256 : i1 to i32
      %sign3A_258 = arith.subi %sign3A_254, %sign3A_257 : i32
      %ne3A = arith.cmpi ne, %sign3A_251, %sign3A_258 : i32
      %rem3A = arith.remsi %squeeze3A_227, %jit3A_244 : i32
      %ne3A_259 = arith.constant 0 : i32
      %ne3A_260 = arith.cmpi ne, %rem3A, %ne3A_259 : i32
      %and3A = arith.andi %ne3A, %ne3A_260 : i1
      %sub3A_261 = arith.constant 1 : i32
      %sub3A_262 = arith.subi %div3A_245, %sub3A_261 : i32
      %select_n3A_263 = arith.select %and3A, %sub3A_262, %div3A_245 : i32
      %add3A_264 = arith.constant 16 : i32
      %add3A_265 = arith.addi %squeeze3A_233, %add3A_264 : i32
      %sub3A_266 = arith.constant 1 : i32
      %sub3A_267 = arith.subi %add3A_265, %sub3A_266 : i32
      %jit3A_268 = arith.constant 16 : i32
      %div3A_269 = arith.divsi %sub3A_267, %jit3A_268 : i32
      %sign3A_270 = arith.constant 0 : i32
      %sign3A_271 = arith.cmpi sgt, %sub3A_267, %sign3A_270 : i32
      %sign3A_272 = arith.extui %sign3A_271 : i1 to i32
      %sign3A_273 = arith.constant 0 : i32
      %sign3A_274 = arith.cmpi slt, %sub3A_267, %sign3A_273 : i32
      %sign3A_275 = arith.extui %sign3A_274 : i1 to i32
      %sign3A_276 = arith.subi %sign3A_272, %sign3A_275 : i32
      %sign3A_277 = arith.constant 0 : i32
      %sign3A_278 = arith.cmpi sgt, %jit3A_268, %sign3A_277 : i32
      %sign3A_279 = arith.extui %sign3A_278 : i1 to i32
      %sign3A_280 = arith.constant 0 : i32
      %sign3A_281 = arith.cmpi slt, %jit3A_268, %sign3A_280 : i32
      %sign3A_282 = arith.extui %sign3A_281 : i1 to i32
      %sign3A_283 = arith.subi %sign3A_279, %sign3A_282 : i32
      %ne3A_284 = arith.cmpi ne, %sign3A_276, %sign3A_283 : i32
      %rem3A_285 = arith.remsi %sub3A_267, %jit3A_268 : i32
      %ne3A_286 = arith.constant 0 : i32
      %ne3A_287 = arith.cmpi ne, %rem3A_285, %ne3A_286 : i32
      %and3A_288 = arith.andi %ne3A_284, %ne3A_287 : i1
      %sub3A_289 = arith.constant 1 : i32
      %sub3A_290 = arith.subi %div3A_269, %sub3A_289 : i32
      %select_n3A_291 = arith.select %and3A_288, %sub3A_290, %div3A_269 : i32
      %while3A_292 = arith.subi %select_n3A_291, %select_n3A_263 : i32
      %while3A_293 = arith.addi %select_n3A_263, %while3A_292 : i32
      %while3A_294 = arith.constant 1 : i32
      %while3A_295 = arith.divsi %while3A_292, %while3A_294 : i32
      %while3A_296 = arith.muli %while3A_295, %while3A_294 : i32
      %while3A_297 = arith.addi %select_n3A_263, %while3A_296 : i32
      %while3A_298 = arith.constant 1 : i32
      %while3A_299:3 = scf.for %while3A_325 = %select_n3A_263 to %while3A_297 step %while3A_298 iter_args(%while3A_326 = %while3A_215, %while3A_327 = %broadcast_in_dim3A_18, %while3A_328 = %broadcast_in_dim3A_20) -> (i32, vector<16xf32>, vector<16xi32>)  : i32 {
        %mul3A_329 = arith.constant 16 : i32
        %mul3A_330 = arith.muli %while3A_325, %mul3A_329 : i32
        %get3A_331 = arith.index_cast %mul3A_330 : i32 to index
        %get3A_332 = tpu.vector_load %arg5[%get3A_331] {strides = array<i32>} : memref<2048xf32, #tpu.memory_space<vmem>>, vector<16xf32>,
        %add3A_333 = vector.broadcast %mul3A_330 : i32 to vector<16xi32>
        %add3A_334 = arith.addi %add3A_333, %iota3A_21 : vector<16xi32>
        %ge3A = vector.broadcast %squeeze3A_227 : i32 to vector<16xi32>
        %ge3A_335 = arith.cmpi sge, %add3A_334, %ge3A : vector<16xi32>
        %lt3A_336 = vector.broadcast %squeeze3A_233 : i32 to vector<16xi32>
        %lt3A_337 = arith.cmpi slt, %add3A_334, %lt3A_336 : vector<16xi32>
        %and3A_338 = arith.andi %ge3A_335, %lt3A_337 : vector<16xi1>
        %gt3A_339 = arith.cmpf ogt, %get3A_332, %add3A_239 : vector<16xf32>
        %and3A_340 = arith.andi %and3A_338, %gt3A_339 : vector<16xi1>
        %swap3A_341 = arith.index_cast %while3A_326 : i32 to index
        %swap3A_342 = tpu.vector_load %arg8[%swap3A_341] masked %and3A_340 {strides = array<i32>} : memref<2064xf32, #tpu.memory_space<vmem>>, vector<16xf32>, vector<16xi1>
        tpu.vector_store %arg8[%swap3A_341], %get3A_332 masked %and3A_340 {strides = array<i32>} : memref<2064xf32, #tpu.memory_space<vmem>>, vector<16xf32>, vector<16xi1>
        %jit3A_343 = arith.constant 0.000000e+00 : f32
        %broadcast_in_dim3A_344 = vector.broadcast %jit3A_343 : f32 to vector<16xf32>
        %select_n3A_345 = arith.select %and3A_340, %get3A_332, %broadcast_in_dim3A_344 : vector<16xi1>, vector<16xf32>
        %add3A_346 = arith.addf %while3A_327, %select_n3A_345 : vector<16xf32>
        %convert_element_type3A_347 = arith.extui %and3A_340 : vector<16xi1> to vector<16xi32>
        %add3A_348 = arith.addi %while3A_328, %convert_element_type3A_347 : vector<16xi32>
        %all_reduce_population_count3A_349 = tpu.all_reduce %and3A_340 {dim = 0 : i64, kind = #tpu.reduction_kind<sum>} : vector<16xi1> -> vector<16xi32>
        %slice3A_350 = vector.extract_strided_slice %all_reduce_population_count3A_349 {offsets = [0], sizes = [1], strides = [1]} : vector<16xi32> to vector<1xi32>
        %squeeze3A_351 = vector.extract %slice3A_350[0] : i32 from vector<1xi32>
        %add3A_352 = arith.addi %while3A_326, %squeeze3A_351 : i32
        scf.yield %add3A_352, %add3A_346, %add3A_348 : i32, vector<16xf32>, vector<16xi32>
      }
      %while3A_300 = arith.constant 1 : i32
      %while3A_301:3 = scf.for %while3A_325 = %while3A_297 to %while3A_293 step %while3A_300 iter_args(%while3A_326 = %while3A_299#0, %while3A_327 = %while3A_299#1, %while3A_328 = %while3A_299#2) -> (i32, vector<16xf32>, vector<16xi32>)  : i32 {
        %mul3A_329 = arith.constant 16 : i32
        %mul3A_330 = arith.muli %while3A_325, %mul3A_329 : i32
        %get3A_331 = arith.index_cast %mul3A_330 : i32 to index
        %get3A_332 = tpu.vector_load %arg5[%get3A_331] {strides = array<i32>} : memref<2048xf32, #tpu.memory_space<vmem>>, vector<16xf32>,
        %add3A_333 = vector.broadcast %mul3A_330 : i32 to vector<16xi32>
        %add3A_334 = arith.addi %add3A_333, %iota3A_21 : vector<16xi32>
        %ge3A = vector.broadcast %squeeze3A_227 : i32 to vector<16xi32>
        %ge3A_335 = arith.cmpi sge, %add3A_334, %ge3A : vector<16xi32>
        %lt3A_336 = vector.broadcast %squeeze3A_233 : i32 to vector<16xi32>
        %lt3A_337 = arith.cmpi slt, %add3A_334, %lt3A_336 : vector<16xi32>
        %and3A_338 = arith.andi %ge3A_335, %lt3A_337 : vector<16xi1>
        %gt3A_339 = arith.cmpf ogt, %get3A_332, %add3A_239 : vector<16xf32>
        %and3A_340 = arith.andi %and3A_338, %gt3A_339 : vector<16xi1>
        %swap3A_341 = arith.index_cast %while3A_326 : i32 to index
        %swap3A_342 = tpu.vector_load %arg8[%swap3A_341] masked %and3A_340 {strides = array<i32>} : memref<2064xf32, #tpu.memory_space<vmem>>, vector<16xf32>, vector<16xi1>
        tpu.vector_store %arg8[%swap3A_341], %get3A_332 masked %and3A_340 {strides = array<i32>} : memref<2064xf32, #tpu.memory_space<vmem>>, vector<16xf32>, vector<16xi1>
        %jit3A_343 = arith.constant 0.000000e+00 : f32
        %broadcast_in_dim3A_344 = vector.broadcast %jit3A_343 : f32 to vector<16xf32>
        %select_n3A_345 = arith.select %and3A_340, %get3A_332, %broadcast_in_dim3A_344 : vector<16xi1>, vector<16xf32>
        %add3A_346 = arith.addf %while3A_327, %select_n3A_345 : vector<16xf32>
        %convert_element_type3A_347 = arith.extui %and3A_340 : vector<16xi1> to vector<16xi32>
        %add3A_348 = arith.addi %while3A_328, %convert_element_type3A_347 : vector<16xi32>
        %all_reduce_population_count3A_349 = tpu.all_reduce %and3A_340 {dim = 0 : i64, kind = #tpu.reduction_kind<sum>} : vector<16xi1> -> vector<16xi32>
        %slice3A_350 = vector.extract_strided_slice %all_reduce_population_count3A_349 {offsets = [0], sizes = [1], strides = [1]} : vector<16xi32> to vector<1xi32>
        %squeeze3A_351 = vector.extract %slice3A_350[0] : i32 from vector<1xi32>
        %add3A_352 = arith.addi %while3A_326, %squeeze3A_351 : i32
        scf.yield %add3A_352, %add3A_346, %add3A_348 : i32, vector<16xf32>, vector<16xi32>
      }
      %add3A_302 = vector.broadcast %squeeze3A_221 : i32 to vector<16xi32>
      %add3A_303 = arith.addi %broadcast_in_dim3A_20, %add3A_302 : vector<16xi32>
      %reduce_sum3A = arith.constant true
      %reduce_sum3A_304 = vector.broadcast %reduce_sum3A : i1 to vector<16xi1>
      %reduce_sum3A_305 = tpu.scan <sum>, %while3A_301#1 masked %reduce_sum3A_304 : vector<16xf32>, vector<16xi1> -> vector<16xf32>
      %reduce_sum3A_306 = vector.extract %reduce_sum3A_305[15] : f32 from vector<16xf32>
      %add3A_307 = vector.broadcast %reduce_sum3A_306 : f32 to vector<16xf32>
      %add3A_308 = arith.addf %broadcast_in_dim3A_18, %add3A_307 : vector<16xf32>
      tpu.vector_store_idx %arg10[%add3A_303], %add3A_308 masked %eq3A_167 {add = true} : memref<32xf32, #tpu.memory_space<vmem>>[vector<16xi32>], vector<16xf32>, vector<16xi1>
      %add3A_309 = arith.constant 16 : i32
      %add3A_310 = arith.addi %add3A_309, %squeeze3A_221 : i32
      %add3A_311 = vector.broadcast %add3A_310 : i32 to vector<16xi32>
      %add3A_312 = arith.addi %broadcast_in_dim3A_20, %add3A_311 : vector<16xi32>
      %reduce_sum3A_313 = arith.constant true
      %reduce_sum3A_314 = vector.broadcast %reduce_sum3A_313 : i1 to vector<16xi1>
      %reduce_sum3A_315 = tpu.scan <sum>, %while3A_301#2 masked %reduce_sum3A_314 : vector<16xi32>, vector<16xi1> -> vector<16xi32>
      %reduce_sum3A_316 = vector.extract %reduce_sum3A_315[15] : i32 from vector<16xi32>
      %convert_element_type3A_317 = arith.sitofp %reduce_sum3A_316 : i32 to f32
      %add3A_318 = vector.broadcast %convert_element_type3A_317 : f32 to vector<16xf32>
      %add3A_319 = arith.addf %broadcast_in_dim3A_18, %add3A_318 : vector<16xf32>
      tpu.vector_store_idx %arg10[%add3A_312], %add3A_319 masked %eq3A_167 {add = true} : memref<32xf32, #tpu.memory_space<vmem>>[vector<16xi32>], vector<16xf32>, vector<16xi1>
      %eq3A_320 = vector.broadcast %while3A_214 : i32 to vector<16xi32>
      %eq3A_321 = arith.cmpi eq, %iota3A_21, %eq3A_320 : vector<16xi32>
      %add3A_322 = vector.broadcast %while3A_301#0 : i32 to vector<16xi32>
      %add3A_323 = arith.addi %broadcast_in_dim3A_20, %add3A_322 : vector<16xi32>
      %select_n3A_324 = arith.select %eq3A_321, %add3A_323, %while3A_217 : vector<16xi1>, vector<16xi32>
      scf.yield %while3A_301#0, %select_n3A, %select_n3A_324 : i32, vector<16xi32>, vector<16xi32>
    }
    %swap3A_180 = arith.constant 48 : index
    %swap3A_181 = tpu.vector_load %arg15[%swap3A_180] {strides = array<i32>} : memref<96xi32, #tpu.memory_space<vmem>>, vector<16xi32>,
    tpu.vector_store %arg15[%swap3A_180], %while3A_179#1 {strides = array<i32>} : memref<96xi32, #tpu.memory_space<vmem>>, vector<16xi32>,
    %swap3A_182 = arith.constant 64 : index
    %swap3A_183 = tpu.vector_load %arg15[%swap3A_182] {strides = array<i32>} : memref<96xi32, #tpu.memory_space<vmem>>, vector<16xi32>,
    tpu.vector_store %arg15[%swap3A_182], %while3A_179#2 {strides = array<i32>} : memref<96xi32, #tpu.memory_space<vmem>>, vector<16xi32>,
    "tpu.region"() ({
      %run_scoped3A = tpu.sem_alloc : memref<!tpu.dma_semaphore, #tpu.memory_space<semaphore_mem>>
      %dma_start3A_214 = arith.constant 0 : i32
      %dma_start3A_215 = tpu.memref_slice %arg12[%dma_start3A_214] : memref<32xf32, #tpu.memory_space<vmem_shared>> -> memref<32xf32, #tpu.memory_space<vmem_shared>>
      tpu.enqueue_indirect_dma source(%arg10 : memref<32xf32, #tpu.memory_space<vmem>>) target(%dma_start3A_215 : memref<32xf32, #tpu.memory_space<vmem_shared>>) offsets(%arg11 : memref<32xi32, #tpu.memory_space<vmem>>) semaphore(%run_scoped3A : memref<!tpu.dma_semaphore, #tpu.memory_space<semaphore_mem>>) {add = true}
      %dma_wait3A_216 = arith.constant 0 : i32
      %dma_wait3A_217 = tpu.memref_slice %arg12[%dma_wait3A_216] : memref<32xf32, #tpu.memory_space<vmem_shared>> -> memref<32xf32, #tpu.memory_space<vmem_shared>>
      tpu.wait_indirect_dma semaphore(%run_scoped3A : memref<!tpu.dma_semaphore, #tpu.memory_space<semaphore_mem>>) src(%arg10 : memref<32xf32, #tpu.memory_space<vmem>>) dst(%dma_wait3A_217 : memref<32xf32, #tpu.memory_space<vmem_shared>>)
      tpu.yield
    }) : () -> ()
    %barrier3A_184 = arith.constant 0 : index
    tpu.barrier barrier_id(%barrier3A_184)
    "tpu.region"() ({
      %run_scoped3A = tpu.sem_alloc : memref<!tpu.dma_semaphore, #tpu.memory_space<semaphore_mem>>
      tpu.enqueue_dma source(%arg12 : memref<32xf32, #tpu.memory_space<vmem_shared>>) target(%arg13 : memref<32xf32, #tpu.memory_space<vmem>>) target_semaphore(%run_scoped3A : memref<!tpu.dma_semaphore, #tpu.memory_space<semaphore_mem>>)
      tpu.wait_dma2 semaphore(%run_scoped3A : memref<!tpu.dma_semaphore, #tpu.memory_space<semaphore_mem>>) src(%arg12 : memref<32xf32, #tpu.memory_space<vmem_shared>>) dst(%arg13 : memref<32xf32, #tpu.memory_space<vmem>>)
      tpu.yield
    }) : () -> ()
    %get3A_185 = arith.constant 0 : index
    %get3A_186 = tpu.vector_load %arg13[%get3A_185] {strides = array<i32>} : memref<32xf32, #tpu.memory_space<vmem>>, vector<16xf32>,
    %get3A_187 = arith.constant 16 : index
    %get3A_188 = tpu.vector_load %arg13[%get3A_187] {strides = array<i32>} : memref<32xf32, #tpu.memory_space<vmem>>, vector<16xf32>,
    %sub3A_189 = arith.subf %get3A_186, %get3A_50 : vector<16xf32>
    %sub3A_190 = arith.constant 1.000000e+00 : f32
    %sub3A_191 = vector.broadcast %sub3A_190 : f32 to vector<16xf32>
    %sub3A_192 = arith.subf %sub3A_189, %sub3A_191 : vector<16xf32>
    %sub3A_193 = arith.subf %get3A_188, %get3A_52 : vector<16xf32>
    %max3A_194 = arith.constant 1.000000e+00 : f32
    %max3A_195 = vector.broadcast %max3A_194 : f32 to vector<16xf32>
    %max3A_196 = arith.maximumf %sub3A_193, %max3A_195 : vector<16xf32>
    %div3A_197 = arith.divf %sub3A_192, %max3A_196 : vector<16xf32>
    %swap3A_198 = arith.constant 0 : index
    %swap3A_199 = tpu.vector_load %arg9[%swap3A_198] {strides = array<i32>} : memref<16xf32, #tpu.memory_space<vmem>>, vector<16xf32>,
    tpu.vector_store %arg9[%swap3A_198], %div3A_197 {strides = array<i32>} : memref<16xf32, #tpu.memory_space<vmem>>, vector<16xf32>,
    %barrier3A_200 = arith.constant 0 : index
    tpu.barrier barrier_id(%barrier3A_200)
    %while3A_201 = arith.constant 0 : i32
    %while3A_202 = arith.constant false
    %while3A_203:4 = scf.while (%while3A_214 = %get3A_186, %while3A_215 = %get3A_188, %while3A_216 = %while3A_201, %while3A_217 = %while3A_202) : (vector<16xf32>, vector<16xf32>, i32, i1) -> (vector<16xf32>, vector<16xf32>, i32, i1) {
      %lt3A_218 = arith.constant 18 : i32
      %lt3A_219 = arith.cmpi slt, %while3A_216, %lt3A_218 : i32
      %not3A = arith.constant true
      %not3A_220 = arith.xori %while3A_217, %not3A : i1
      %and3A = arith.andi %lt3A_219, %not3A_220 : i1
      scf.condition(%and3A) %while3A_214, %while3A_215, %while3A_216, %while3A_217 : vector<16xf32>, vector<16xf32>, i32, i1
    } do {
    ^bb0(%while3A_214: vector<16xf32>, %while3A_215: vector<16xf32>, %while3A_216: i32, %while3A_217: i1):
      %swap3A_218 = arith.constant 0 : index
      %swap3A_219 = tpu.vector_load %arg10[%swap3A_218] {strides = array<i32>} : memref<32xf32, #tpu.memory_space<vmem>>, vector<16xf32>,
      tpu.vector_store %arg10[%swap3A_218], %broadcast_in_dim3A_18 {strides = array<i32>} : memref<32xf32, #tpu.memory_space<vmem>>, vector<16xf32>,
      %swap3A_220 = arith.constant 16 : index
      %swap3A_221 = tpu.vector_load %arg10[%swap3A_220] {strides = array<i32>} : memref<32xf32, #tpu.memory_space<vmem>>, vector<16xf32>,
      tpu.vector_store %arg10[%swap3A_220], %broadcast_in_dim3A_18 {strides = array<i32>} : memref<32xf32, #tpu.memory_space<vmem>>, vector<16xf32>,
      %while3A_222 = arith.constant 0 : i32
      %while3A_223 = arith.constant 0 : i32
      %while3A_224 = arith.subi %squeeze3A, %while3A_223 : i32
      %while3A_225 = arith.addi %while3A_223, %while3A_224 : i32
      %while3A_226 = arith.constant 1 : i32
      %while3A_227 = arith.divsi %while3A_224, %while3A_226 : i32
      %while3A_228 = arith.muli %while3A_227, %while3A_226 : i32
      %while3A_229 = arith.addi %while3A_223, %while3A_228 : i32
      %while3A_230 = arith.constant 1 : i32
      scf.for %while3A_264 = %while3A_223 to %while3A_229 step %while3A_230  : i32 {
        %get3A_265 = arith.index_cast %while3A_264 : i32 to index
        %get3A_266 = tpu.vector_load %arg15[%get3A_265] {strides = array<i32>} : memref<96xi32, #tpu.memory_space<vmem>>, vector<16xi32>,
        %slice3A_267 = vector.extract_strided_slice %get3A_266 {offsets = [0], sizes = [1], strides = [1]} : vector<16xi32> to vector<1xi32>
        %squeeze3A_268 = vector.extract %slice3A_267[0] : i32 from vector<1xi32>
        %add3A_269 = arith.constant 48 : i32
        %add3A_270 = arith.addi %add3A_269, %while3A_264 : i32
        %get3A_271 = arith.index_cast %add3A_270 : i32 to index
        %get3A_272 = tpu.vector_load %arg15[%get3A_271] {strides = array<i32>} : memref<96xi32, #tpu.memory_space<vmem>>, vector<16xi32>,
        %slice3A_273 = vector.extract_strided_slice %get3A_272 {offsets = [0], sizes = [1], strides = [1]} : vector<16xi32> to vector<1xi32>
        %squeeze3A_274 = vector.extract %slice3A_273[0] : i32 from vector<1xi32>
        %add3A_275 = arith.constant 64 : i32
        %add3A_276 = arith.addi %add3A_275, %while3A_264 : i32
        %get3A_277 = arith.index_cast %add3A_276 : i32 to index
        %get3A_278 = tpu.vector_load %arg15[%get3A_277] {strides = array<i32>} : memref<96xi32, #tpu.memory_space<vmem>>, vector<16xi32>,
        %slice3A_279 = vector.extract_strided_slice %get3A_278 {offsets = [0], sizes = [1], strides = [1]} : vector<16xi32> to vector<1xi32>
        %squeeze3A_280 = vector.extract %slice3A_279[0] : i32 from vector<1xi32>
        %get3A_281 = arith.index_cast %squeeze3A_268 : i32 to index
        %get3A_282 = tpu.vector_load %arg9[%get3A_281] {strides = array<i32>} : memref<16xf32, #tpu.memory_space<vmem>>, vector<16xf32>,
        %slice3A_283 = vector.extract_strided_slice %get3A_282 {offsets = [0], sizes = [1], strides = [1]} : vector<16xf32> to vector<1xf32>
        %squeeze3A_284 = vector.extract %slice3A_283[0] : f32 from vector<1xf32>
        %add3A_285 = vector.broadcast %squeeze3A_284 : f32 to vector<16xf32>
        %add3A_286 = arith.addf %broadcast_in_dim3A_18, %add3A_285 : vector<16xf32>
        %jit3A_287 = arith.constant 16 : i32
        %div3A_288 = arith.divsi %squeeze3A_274, %jit3A_287 : i32
        %sign3A = arith.constant 0 : i32
        %sign3A_289 = arith.cmpi sgt, %squeeze3A_274, %sign3A : i32
        %sign3A_290 = arith.extui %sign3A_289 : i1 to i32
        %sign3A_291 = arith.constant 0 : i32
        %sign3A_292 = arith.cmpi slt, %squeeze3A_274, %sign3A_291 : i32
        %sign3A_293 = arith.extui %sign3A_292 : i1 to i32
        %sign3A_294 = arith.subi %sign3A_290, %sign3A_293 : i32
        %sign3A_295 = arith.constant 0 : i32
        %sign3A_296 = arith.cmpi sgt, %jit3A_287, %sign3A_295 : i32
        %sign3A_297 = arith.extui %sign3A_296 : i1 to i32
        %sign3A_298 = arith.constant 0 : i32
        %sign3A_299 = arith.cmpi slt, %jit3A_287, %sign3A_298 : i32
        %sign3A_300 = arith.extui %sign3A_299 : i1 to i32
        %sign3A_301 = arith.subi %sign3A_297, %sign3A_300 : i32
        %ne3A_302 = arith.cmpi ne, %sign3A_294, %sign3A_301 : i32
        %rem3A = arith.remsi %squeeze3A_274, %jit3A_287 : i32
        %ne3A_303 = arith.constant 0 : i32
        %ne3A_304 = arith.cmpi ne, %rem3A, %ne3A_303 : i32
        %and3A = arith.andi %ne3A_302, %ne3A_304 : i1
        %sub3A_305 = arith.constant 1 : i32
        %sub3A_306 = arith.subi %div3A_288, %sub3A_305 : i32
        %select_n3A = arith.select %and3A, %sub3A_306, %div3A_288 : i32
        %add3A_307 = arith.constant 16 : i32
        %add3A_308 = arith.addi %squeeze3A_280, %add3A_307 : i32
        %sub3A_309 = arith.constant 1 : i32
        %sub3A_310 = arith.subi %add3A_308, %sub3A_309 : i32
        %jit3A_311 = arith.constant 16 : i32
        %div3A_312 = arith.divsi %sub3A_310, %jit3A_311 : i32
        %sign3A_313 = arith.constant 0 : i32
        %sign3A_314 = arith.cmpi sgt, %sub3A_310, %sign3A_313 : i32
        %sign3A_315 = arith.extui %sign3A_314 : i1 to i32
        %sign3A_316 = arith.constant 0 : i32
        %sign3A_317 = arith.cmpi slt, %sub3A_310, %sign3A_316 : i32
        %sign3A_318 = arith.extui %sign3A_317 : i1 to i32
        %sign3A_319 = arith.subi %sign3A_315, %sign3A_318 : i32
        %sign3A_320 = arith.constant 0 : i32
        %sign3A_321 = arith.cmpi sgt, %jit3A_311, %sign3A_320 : i32
        %sign3A_322 = arith.extui %sign3A_321 : i1 to i32
        %sign3A_323 = arith.constant 0 : i32
        %sign3A_324 = arith.cmpi slt, %jit3A_311, %sign3A_323 : i32
        %sign3A_325 = arith.extui %sign3A_324 : i1 to i32
        %sign3A_326 = arith.subi %sign3A_322, %sign3A_325 : i32
        %ne3A_327 = arith.cmpi ne, %sign3A_319, %sign3A_326 : i32
        %rem3A_328 = arith.remsi %sub3A_310, %jit3A_311 : i32
        %ne3A_329 = arith.constant 0 : i32
        %ne3A_330 = arith.cmpi ne, %rem3A_328, %ne3A_329 : i32
        %and3A_331 = arith.andi %ne3A_327, %ne3A_330 : i1
        %sub3A_332 = arith.constant 1 : i32
        %sub3A_333 = arith.subi %div3A_312, %sub3A_332 : i32
        %select_n3A_334 = arith.select %and3A_331, %sub3A_333, %div3A_312 : i32
        %while3A_335 = arith.subi %select_n3A_334, %select_n3A : i32
        %while3A_336 = arith.addi %select_n3A, %while3A_335 : i32
        %while3A_337 = arith.constant 1 : i32
        %while3A_338 = arith.divsi %while3A_335, %while3A_337 : i32
        %while3A_339 = arith.muli %while3A_338, %while3A_337 : i32
        %while3A_340 = arith.addi %select_n3A, %while3A_339 : i32
        %while3A_341 = arith.constant 1 : i32
        %while3A_342:2 = scf.for %while3A_363 = %select_n3A to %while3A_340 step %while3A_341 iter_args(%while3A_364 = %broadcast_in_dim3A_18, %while3A_365 = %broadcast_in_dim3A_20) -> (vector<16xf32>, vector<16xi32>)  : i32 {
          %mul3A_366 = arith.constant 16 : i32
          %mul3A_367 = arith.muli %while3A_363, %mul3A_366 : i32
          %get3A_368 = arith.index_cast %mul3A_367 : i32 to index
          %get3A_369 = tpu.vector_load %arg8[%get3A_368] {strides = array<i32>} : memref<2064xf32, #tpu.memory_space<vmem>>, vector<16xf32>,
          %add3A_370 = vector.broadcast %mul3A_367 : i32 to vector<16xi32>
          %add3A_371 = arith.addi %add3A_370, %iota3A_21 : vector<16xi32>
          %ge3A = vector.broadcast %squeeze3A_274 : i32 to vector<16xi32>
          %ge3A_372 = arith.cmpi sge, %add3A_371, %ge3A : vector<16xi32>
          %lt3A_373 = vector.broadcast %squeeze3A_280 : i32 to vector<16xi32>
          %lt3A_374 = arith.cmpi slt, %add3A_371, %lt3A_373 : vector<16xi32>
          %and3A_375 = arith.andi %ge3A_372, %lt3A_374 : vector<16xi1>
          %gt3A_376 = arith.cmpf ogt, %get3A_369, %add3A_286 : vector<16xf32>
          %and3A_377 = arith.andi %and3A_375, %gt3A_376 : vector<16xi1>
          %jit3A_378 = arith.constant 0.000000e+00 : f32
          %broadcast_in_dim3A_379 = vector.broadcast %jit3A_378 : f32 to vector<16xf32>
          %select_n3A_380 = arith.select %and3A_377, %get3A_369, %broadcast_in_dim3A_379 : vector<16xi1>, vector<16xf32>
          %add3A_381 = arith.addf %while3A_364, %select_n3A_380 : vector<16xf32>
          %convert_element_type3A_382 = arith.extui %and3A_377 : vector<16xi1> to vector<16xi32>
          %add3A_383 = arith.addi %while3A_365, %convert_element_type3A_382 : vector<16xi32>
          scf.yield %add3A_381, %add3A_383 : vector<16xf32>, vector<16xi32>
        }
        %while3A_343 = arith.constant 1 : i32
        %while3A_344:2 = scf.for %while3A_363 = %while3A_340 to %while3A_336 step %while3A_343 iter_args(%while3A_364 = %while3A_342#0, %while3A_365 = %while3A_342#1) -> (vector<16xf32>, vector<16xi32>)  : i32 {
          %mul3A_366 = arith.constant 16 : i32
          %mul3A_367 = arith.muli %while3A_363, %mul3A_366 : i32
          %get3A_368 = arith.index_cast %mul3A_367 : i32 to index
          %get3A_369 = tpu.vector_load %arg8[%get3A_368] {strides = array<i32>} : memref<2064xf32, #tpu.memory_space<vmem>>, vector<16xf32>,
          %add3A_370 = vector.broadcast %mul3A_367 : i32 to vector<16xi32>
          %add3A_371 = arith.addi %add3A_370, %iota3A_21 : vector<16xi32>
          %ge3A = vector.broadcast %squeeze3A_274 : i32 to vector<16xi32>
          %ge3A_372 = arith.cmpi sge, %add3A_371, %ge3A : vector<16xi32>
          %lt3A_373 = vector.broadcast %squeeze3A_280 : i32 to vector<16xi32>
          %lt3A_374 = arith.cmpi slt, %add3A_371, %lt3A_373 : vector<16xi32>
          %and3A_375 = arith.andi %ge3A_372, %lt3A_374 : vector<16xi1>
          %gt3A_376 = arith.cmpf ogt, %get3A_369, %add3A_286 : vector<16xf32>
          %and3A_377 = arith.andi %and3A_375, %gt3A_376 : vector<16xi1>
          %jit3A_378 = arith.constant 0.000000e+00 : f32
          %broadcast_in_dim3A_379 = vector.broadcast %jit3A_378 : f32 to vector<16xf32>
          %select_n3A_380 = arith.select %and3A_377, %get3A_369, %broadcast_in_dim3A_379 : vector<16xi1>, vector<16xf32>
          %add3A_381 = arith.addf %while3A_364, %select_n3A_380 : vector<16xf32>
          %convert_element_type3A_382 = arith.extui %and3A_377 : vector<16xi1> to vector<16xi32>
          %add3A_383 = arith.addi %while3A_365, %convert_element_type3A_382 : vector<16xi32>
          scf.yield %add3A_381, %add3A_383 : vector<16xf32>, vector<16xi32>
        }
        %add3A_345 = vector.broadcast %squeeze3A_268 : i32 to vector<16xi32>
        %add3A_346 = arith.addi %broadcast_in_dim3A_20, %add3A_345 : vector<16xi32>
        %reduce_sum3A = arith.constant true
        %reduce_sum3A_347 = vector.broadcast %reduce_sum3A : i1 to vector<16xi1>
        %reduce_sum3A_348 = tpu.scan <sum>, %while3A_344#0 masked %reduce_sum3A_347 : vector<16xf32>, vector<16xi1> -> vector<16xf32>
        %reduce_sum3A_349 = vector.extract %reduce_sum3A_348[15] : f32 from vector<16xf32>
        %add3A_350 = vector.broadcast %reduce_sum3A_349 : f32 to vector<16xf32>
        %add3A_351 = arith.addf %broadcast_in_dim3A_18, %add3A_350 : vector<16xf32>
        tpu.vector_store_idx %arg10[%add3A_346], %add3A_351 masked %eq3A_167 {add = true} : memref<32xf32, #tpu.memory_space<vmem>>[vector<16xi32>], vector<16xf32>, vector<16xi1>
        %add3A_352 = arith.constant 16 : i32
        %add3A_353 = arith.addi %add3A_352, %squeeze3A_268 : i32
        %add3A_354 = vector.broadcast %add3A_353 : i32 to vector<16xi32>
        %add3A_355 = arith.addi %broadcast_in_dim3A_20, %add3A_354 : vector<16xi32>
        %reduce_sum3A_356 = arith.constant true
        %reduce_sum3A_357 = vector.broadcast %reduce_sum3A_356 : i1 to vector<16xi1>
        %reduce_sum3A_358 = tpu.scan <sum>, %while3A_344#1 masked %reduce_sum3A_357 : vector<16xi32>, vector<16xi1> -> vector<16xi32>
        %reduce_sum3A_359 = vector.extract %reduce_sum3A_358[15] : i32 from vector<16xi32>
        %convert_element_type3A_360 = arith.sitofp %reduce_sum3A_359 : i32 to f32
        %add3A_361 = vector.broadcast %convert_element_type3A_360 : f32 to vector<16xf32>
        %add3A_362 = arith.addf %broadcast_in_dim3A_18, %add3A_361 : vector<16xf32>
        tpu.vector_store_idx %arg10[%add3A_355], %add3A_362 masked %eq3A_167 {add = true} : memref<32xf32, #tpu.memory_space<vmem>>[vector<16xi32>], vector<16xf32>, vector<16xi1>
      }
      %while3A_231 = arith.constant 1 : i32
      scf.for %while3A_264 = %while3A_229 to %while3A_225 step %while3A_231  : i32 {
        %get3A_265 = arith.index_cast %while3A_264 : i32 to index
        %get3A_266 = tpu.vector_load %arg15[%get3A_265] {strides = array<i32>} : memref<96xi32, #tpu.memory_space<vmem>>, vector<16xi32>,
        %slice3A_267 = vector.extract_strided_slice %get3A_266 {offsets = [0], sizes = [1], strides = [1]} : vector<16xi32> to vector<1xi32>
        %squeeze3A_268 = vector.extract %slice3A_267[0] : i32 from vector<1xi32>
        %add3A_269 = arith.constant 48 : i32
        %add3A_270 = arith.addi %add3A_269, %while3A_264 : i32
        %get3A_271 = arith.index_cast %add3A_270 : i32 to index
        %get3A_272 = tpu.vector_load %arg15[%get3A_271] {strides = array<i32>} : memref<96xi32, #tpu.memory_space<vmem>>, vector<16xi32>,
        %slice3A_273 = vector.extract_strided_slice %get3A_272 {offsets = [0], sizes = [1], strides = [1]} : vector<16xi32> to vector<1xi32>
        %squeeze3A_274 = vector.extract %slice3A_273[0] : i32 from vector<1xi32>
        %add3A_275 = arith.constant 64 : i32
        %add3A_276 = arith.addi %add3A_275, %while3A_264 : i32
        %get3A_277 = arith.index_cast %add3A_276 : i32 to index
        %get3A_278 = tpu.vector_load %arg15[%get3A_277] {strides = array<i32>} : memref<96xi32, #tpu.memory_space<vmem>>, vector<16xi32>,
        %slice3A_279 = vector.extract_strided_slice %get3A_278 {offsets = [0], sizes = [1], strides = [1]} : vector<16xi32> to vector<1xi32>
        %squeeze3A_280 = vector.extract %slice3A_279[0] : i32 from vector<1xi32>
        %get3A_281 = arith.index_cast %squeeze3A_268 : i32 to index
        %get3A_282 = tpu.vector_load %arg9[%get3A_281] {strides = array<i32>} : memref<16xf32, #tpu.memory_space<vmem>>, vector<16xf32>,
        %slice3A_283 = vector.extract_strided_slice %get3A_282 {offsets = [0], sizes = [1], strides = [1]} : vector<16xf32> to vector<1xf32>
        %squeeze3A_284 = vector.extract %slice3A_283[0] : f32 from vector<1xf32>
        %add3A_285 = vector.broadcast %squeeze3A_284 : f32 to vector<16xf32>
        %add3A_286 = arith.addf %broadcast_in_dim3A_18, %add3A_285 : vector<16xf32>
        %jit3A_287 = arith.constant 16 : i32
        %div3A_288 = arith.divsi %squeeze3A_274, %jit3A_287 : i32
        %sign3A = arith.constant 0 : i32
        %sign3A_289 = arith.cmpi sgt, %squeeze3A_274, %sign3A : i32
        %sign3A_290 = arith.extui %sign3A_289 : i1 to i32
        %sign3A_291 = arith.constant 0 : i32
        %sign3A_292 = arith.cmpi slt, %squeeze3A_274, %sign3A_291 : i32
        %sign3A_293 = arith.extui %sign3A_292 : i1 to i32
        %sign3A_294 = arith.subi %sign3A_290, %sign3A_293 : i32
        %sign3A_295 = arith.constant 0 : i32
        %sign3A_296 = arith.cmpi sgt, %jit3A_287, %sign3A_295 : i32
        %sign3A_297 = arith.extui %sign3A_296 : i1 to i32
        %sign3A_298 = arith.constant 0 : i32
        %sign3A_299 = arith.cmpi slt, %jit3A_287, %sign3A_298 : i32
        %sign3A_300 = arith.extui %sign3A_299 : i1 to i32
        %sign3A_301 = arith.subi %sign3A_297, %sign3A_300 : i32
        %ne3A_302 = arith.cmpi ne, %sign3A_294, %sign3A_301 : i32
        %rem3A = arith.remsi %squeeze3A_274, %jit3A_287 : i32
        %ne3A_303 = arith.constant 0 : i32
        %ne3A_304 = arith.cmpi ne, %rem3A, %ne3A_303 : i32
        %and3A = arith.andi %ne3A_302, %ne3A_304 : i1
        %sub3A_305 = arith.constant 1 : i32
        %sub3A_306 = arith.subi %div3A_288, %sub3A_305 : i32
        %select_n3A = arith.select %and3A, %sub3A_306, %div3A_288 : i32
        %add3A_307 = arith.constant 16 : i32
        %add3A_308 = arith.addi %squeeze3A_280, %add3A_307 : i32
        %sub3A_309 = arith.constant 1 : i32
        %sub3A_310 = arith.subi %add3A_308, %sub3A_309 : i32
        %jit3A_311 = arith.constant 16 : i32
        %div3A_312 = arith.divsi %sub3A_310, %jit3A_311 : i32
        %sign3A_313 = arith.constant 0 : i32
        %sign3A_314 = arith.cmpi sgt, %sub3A_310, %sign3A_313 : i32
        %sign3A_315 = arith.extui %sign3A_314 : i1 to i32
        %sign3A_316 = arith.constant 0 : i32
        %sign3A_317 = arith.cmpi slt, %sub3A_310, %sign3A_316 : i32
        %sign3A_318 = arith.extui %sign3A_317 : i1 to i32
        %sign3A_319 = arith.subi %sign3A_315, %sign3A_318 : i32
        %sign3A_320 = arith.constant 0 : i32
        %sign3A_321 = arith.cmpi sgt, %jit3A_311, %sign3A_320 : i32
        %sign3A_322 = arith.extui %sign3A_321 : i1 to i32
        %sign3A_323 = arith.constant 0 : i32
        %sign3A_324 = arith.cmpi slt, %jit3A_311, %sign3A_323 : i32
        %sign3A_325 = arith.extui %sign3A_324 : i1 to i32
        %sign3A_326 = arith.subi %sign3A_322, %sign3A_325 : i32
        %ne3A_327 = arith.cmpi ne, %sign3A_319, %sign3A_326 : i32
        %rem3A_328 = arith.remsi %sub3A_310, %jit3A_311 : i32
        %ne3A_329 = arith.constant 0 : i32
        %ne3A_330 = arith.cmpi ne, %rem3A_328, %ne3A_329 : i32
        %and3A_331 = arith.andi %ne3A_327, %ne3A_330 : i1
        %sub3A_332 = arith.constant 1 : i32
        %sub3A_333 = arith.subi %div3A_312, %sub3A_332 : i32
        %select_n3A_334 = arith.select %and3A_331, %sub3A_333, %div3A_312 : i32
        %while3A_335 = arith.subi %select_n3A_334, %select_n3A : i32
        %while3A_336 = arith.addi %select_n3A, %while3A_335 : i32
        %while3A_337 = arith.constant 1 : i32
        %while3A_338 = arith.divsi %while3A_335, %while3A_337 : i32
        %while3A_339 = arith.muli %while3A_338, %while3A_337 : i32
        %while3A_340 = arith.addi %select_n3A, %while3A_339 : i32
        %while3A_341 = arith.constant 1 : i32
        %while3A_342:2 = scf.for %while3A_363 = %select_n3A to %while3A_340 step %while3A_341 iter_args(%while3A_364 = %broadcast_in_dim3A_18, %while3A_365 = %broadcast_in_dim3A_20) -> (vector<16xf32>, vector<16xi32>)  : i32 {
          %mul3A_366 = arith.constant 16 : i32
          %mul3A_367 = arith.muli %while3A_363, %mul3A_366 : i32
          %get3A_368 = arith.index_cast %mul3A_367 : i32 to index
          %get3A_369 = tpu.vector_load %arg8[%get3A_368] {strides = array<i32>} : memref<2064xf32, #tpu.memory_space<vmem>>, vector<16xf32>,
          %add3A_370 = vector.broadcast %mul3A_367 : i32 to vector<16xi32>
          %add3A_371 = arith.addi %add3A_370, %iota3A_21 : vector<16xi32>
          %ge3A = vector.broadcast %squeeze3A_274 : i32 to vector<16xi32>
          %ge3A_372 = arith.cmpi sge, %add3A_371, %ge3A : vector<16xi32>
          %lt3A_373 = vector.broadcast %squeeze3A_280 : i32 to vector<16xi32>
          %lt3A_374 = arith.cmpi slt, %add3A_371, %lt3A_373 : vector<16xi32>
          %and3A_375 = arith.andi %ge3A_372, %lt3A_374 : vector<16xi1>
          %gt3A_376 = arith.cmpf ogt, %get3A_369, %add3A_286 : vector<16xf32>
          %and3A_377 = arith.andi %and3A_375, %gt3A_376 : vector<16xi1>
          %jit3A_378 = arith.constant 0.000000e+00 : f32
          %broadcast_in_dim3A_379 = vector.broadcast %jit3A_378 : f32 to vector<16xf32>
          %select_n3A_380 = arith.select %and3A_377, %get3A_369, %broadcast_in_dim3A_379 : vector<16xi1>, vector<16xf32>
          %add3A_381 = arith.addf %while3A_364, %select_n3A_380 : vector<16xf32>
          %convert_element_type3A_382 = arith.extui %and3A_377 : vector<16xi1> to vector<16xi32>
          %add3A_383 = arith.addi %while3A_365, %convert_element_type3A_382 : vector<16xi32>
          scf.yield %add3A_381, %add3A_383 : vector<16xf32>, vector<16xi32>
        }
        %while3A_343 = arith.constant 1 : i32
        %while3A_344:2 = scf.for %while3A_363 = %while3A_340 to %while3A_336 step %while3A_343 iter_args(%while3A_364 = %while3A_342#0, %while3A_365 = %while3A_342#1) -> (vector<16xf32>, vector<16xi32>)  : i32 {
          %mul3A_366 = arith.constant 16 : i32
          %mul3A_367 = arith.muli %while3A_363, %mul3A_366 : i32
          %get3A_368 = arith.index_cast %mul3A_367 : i32 to index
          %get3A_369 = tpu.vector_load %arg8[%get3A_368] {strides = array<i32>} : memref<2064xf32, #tpu.memory_space<vmem>>, vector<16xf32>,
          %add3A_370 = vector.broadcast %mul3A_367 : i32 to vector<16xi32>
          %add3A_371 = arith.addi %add3A_370, %iota3A_21 : vector<16xi32>
          %ge3A = vector.broadcast %squeeze3A_274 : i32 to vector<16xi32>
          %ge3A_372 = arith.cmpi sge, %add3A_371, %ge3A : vector<16xi32>
          %lt3A_373 = vector.broadcast %squeeze3A_280 : i32 to vector<16xi32>
          %lt3A_374 = arith.cmpi slt, %add3A_371, %lt3A_373 : vector<16xi32>
          %and3A_375 = arith.andi %ge3A_372, %lt3A_374 : vector<16xi1>
          %gt3A_376 = arith.cmpf ogt, %get3A_369, %add3A_286 : vector<16xf32>
          %and3A_377 = arith.andi %and3A_375, %gt3A_376 : vector<16xi1>
          %jit3A_378 = arith.constant 0.000000e+00 : f32
          %broadcast_in_dim3A_379 = vector.broadcast %jit3A_378 : f32 to vector<16xf32>
          %select_n3A_380 = arith.select %and3A_377, %get3A_369, %broadcast_in_dim3A_379 : vector<16xi1>, vector<16xf32>
          %add3A_381 = arith.addf %while3A_364, %select_n3A_380 : vector<16xf32>
          %convert_element_type3A_382 = arith.extui %and3A_377 : vector<16xi1> to vector<16xi32>
          %add3A_383 = arith.addi %while3A_365, %convert_element_type3A_382 : vector<16xi32>
          scf.yield %add3A_381, %add3A_383 : vector<16xf32>, vector<16xi32>
        }
        %add3A_345 = vector.broadcast %squeeze3A_268 : i32 to vector<16xi32>
        %add3A_346 = arith.addi %broadcast_in_dim3A_20, %add3A_345 : vector<16xi32>
        %reduce_sum3A = arith.constant true
        %reduce_sum3A_347 = vector.broadcast %reduce_sum3A : i1 to vector<16xi1>
        %reduce_sum3A_348 = tpu.scan <sum>, %while3A_344#0 masked %reduce_sum3A_347 : vector<16xf32>, vector<16xi1> -> vector<16xf32>
        %reduce_sum3A_349 = vector.extract %reduce_sum3A_348[15] : f32 from vector<16xf32>
        %add3A_350 = vector.broadcast %reduce_sum3A_349 : f32 to vector<16xf32>
        %add3A_351 = arith.addf %broadcast_in_dim3A_18, %add3A_350 : vector<16xf32>
        tpu.vector_store_idx %arg10[%add3A_346], %add3A_351 masked %eq3A_167 {add = true} : memref<32xf32, #tpu.memory_space<vmem>>[vector<16xi32>], vector<16xf32>, vector<16xi1>
        %add3A_352 = arith.constant 16 : i32
        %add3A_353 = arith.addi %add3A_352, %squeeze3A_268 : i32
        %add3A_354 = vector.broadcast %add3A_353 : i32 to vector<16xi32>
        %add3A_355 = arith.addi %broadcast_in_dim3A_20, %add3A_354 : vector<16xi32>
        %reduce_sum3A_356 = arith.constant true
        %reduce_sum3A_357 = vector.broadcast %reduce_sum3A_356 : i1 to vector<16xi1>
        %reduce_sum3A_358 = tpu.scan <sum>, %while3A_344#1 masked %reduce_sum3A_357 : vector<16xi32>, vector<16xi1> -> vector<16xi32>
        %reduce_sum3A_359 = vector.extract %reduce_sum3A_358[15] : i32 from vector<16xi32>
        %convert_element_type3A_360 = arith.sitofp %reduce_sum3A_359 : i32 to f32
        %add3A_361 = vector.broadcast %convert_element_type3A_360 : f32 to vector<16xf32>
        %add3A_362 = arith.addf %broadcast_in_dim3A_18, %add3A_361 : vector<16xf32>
        tpu.vector_store_idx %arg10[%add3A_355], %add3A_362 masked %eq3A_167 {add = true} : memref<32xf32, #tpu.memory_space<vmem>>[vector<16xi32>], vector<16xf32>, vector<16xi1>
      }
      %get3A_232 = arith.constant 0 : index
      %get3A_233 = tpu.vector_load %arg9[%get3A_232] {strides = array<i32>} : memref<16xf32, #tpu.memory_space<vmem>>, vector<16xf32>,
      "tpu.region"() ({
        %run_scoped3A = tpu.sem_alloc : memref<!tpu.dma_semaphore, #tpu.memory_space<semaphore_mem>>
        %dma_start3A_264 = arith.constant 0 : i32
        %dma_start3A_265 = tpu.memref_slice %arg12[%dma_start3A_264] : memref<32xf32, #tpu.memory_space<vmem_shared>> -> memref<32xf32, #tpu.memory_space<vmem_shared>>
        tpu.enqueue_indirect_dma source(%arg10 : memref<32xf32, #tpu.memory_space<vmem>>) target(%dma_start3A_265 : memref<32xf32, #tpu.memory_space<vmem_shared>>) offsets(%arg11 : memref<32xi32, #tpu.memory_space<vmem>>) semaphore(%run_scoped3A : memref<!tpu.dma_semaphore, #tpu.memory_space<semaphore_mem>>) {add = true}
        %dma_wait3A_266 = arith.constant 0 : i32
        %dma_wait3A_267 = tpu.memref_slice %arg12[%dma_wait3A_266] : memref<32xf32, #tpu.memory_space<vmem_shared>> -> memref<32xf32, #tpu.memory_space<vmem_shared>>
        tpu.wait_indirect_dma semaphore(%run_scoped3A : memref<!tpu.dma_semaphore, #tpu.memory_space<semaphore_mem>>) src(%arg10 : memref<32xf32, #tpu.memory_space<vmem>>) dst(%dma_wait3A_267 : memref<32xf32, #tpu.memory_space<vmem_shared>>)
        tpu.yield
      }) : () -> ()
      %barrier3A_234 = arith.constant 0 : index
      tpu.barrier barrier_id(%barrier3A_234)
      "tpu.region"() ({
        %run_scoped3A = tpu.sem_alloc : memref<!tpu.dma_semaphore, #tpu.memory_space<semaphore_mem>>
        tpu.enqueue_dma source(%arg12 : memref<32xf32, #tpu.memory_space<vmem_shared>>) target(%arg13 : memref<32xf32, #tpu.memory_space<vmem>>) target_semaphore(%run_scoped3A : memref<!tpu.dma_semaphore, #tpu.memory_space<semaphore_mem>>)
        tpu.wait_dma2 semaphore(%run_scoped3A : memref<!tpu.dma_semaphore, #tpu.memory_space<semaphore_mem>>) src(%arg12 : memref<32xf32, #tpu.memory_space<vmem_shared>>) dst(%arg13 : memref<32xf32, #tpu.memory_space<vmem>>)
        tpu.yield
      }) : () -> ()
      %get3A_235 = arith.constant 0 : index
      %get3A_236 = tpu.vector_load %arg13[%get3A_235] {strides = array<i32>} : memref<32xf32, #tpu.memory_space<vmem>>, vector<16xf32>,
      %get3A_237 = arith.constant 16 : index
      %get3A_238 = tpu.vector_load %arg13[%get3A_237] {strides = array<i32>} : memref<32xf32, #tpu.memory_space<vmem>>, vector<16xf32>,
      %sub3A_239 = arith.subf %get3A_236, %while3A_214 : vector<16xf32>
      %sub3A_240 = arith.constant 1.000000e+00 : f32
      %sub3A_241 = vector.broadcast %sub3A_240 : f32 to vector<16xf32>
      %sub3A_242 = arith.subf %sub3A_239, %sub3A_241 : vector<16xf32>
      %sub3A_243 = arith.subf %get3A_238, %while3A_215 : vector<16xf32>
      %max3A_244 = arith.constant 1.000000e+00 : f32
      %max3A_245 = vector.broadcast %max3A_244 : f32 to vector<16xf32>
      %max3A_246 = arith.maximumf %sub3A_243, %max3A_245 : vector<16xf32>
      %div3A_247 = arith.divf %sub3A_242, %max3A_246 : vector<16xf32>
      %ne3A = arith.cmpf one, %div3A_247, %get3A_233 : vector<16xf32>
      %reduce_or3A = arith.constant 1.000000e+00 : f32
      %reduce_or3A_248 = arith.constant 0.000000e+00 : f32
      %reduce_or3A_249 = vector.broadcast %reduce_or3A : f32 to vector<16xf32>
      %reduce_or3A_250 = vector.broadcast %reduce_or3A_248 : f32 to vector<16xf32>
      %reduce_or3A_251 = arith.select %ne3A, %reduce_or3A_249, %reduce_or3A_250 : vector<16xi1>, vector<16xf32>
      %reduce_or3A_252 = arith.constant true
      %reduce_or3A_253 = vector.broadcast %reduce_or3A_252 : i1 to vector<16xi1>
      %reduce_or3A_254 = tpu.scan <max>, %reduce_or3A_251 masked %reduce_or3A_253 : vector<16xf32>, vector<16xi1> -> vector<16xf32>
      %reduce_or3A_255 = vector.extract %reduce_or3A_254[15] : f32 from vector<16xf32>
      %reduce_or3A_256 = arith.constant 0.000000e+00 : f32
      %reduce_or3A_257 = arith.cmpf ogt, %reduce_or3A_255, %reduce_or3A_256 : f32
      %not3A = arith.constant true
      %not3A_258 = arith.xori %reduce_or3A_257, %not3A : i1
      %swap3A_259 = arith.constant 0 : index
      %swap3A_260 = tpu.vector_load %arg9[%swap3A_259] {strides = array<i32>} : memref<16xf32, #tpu.memory_space<vmem>>, vector<16xf32>,
      tpu.vector_store %arg9[%swap3A_259], %div3A_247 {strides = array<i32>} : memref<16xf32, #tpu.memory_space<vmem>>, vector<16xf32>,
      %barrier3A_261 = arith.constant 0 : index
      tpu.barrier barrier_id(%barrier3A_261)
      %add3A_262 = arith.constant 1 : i32
      %add3A_263 = arith.addi %while3A_216, %add3A_262 : i32
      scf.yield %get3A_236, %get3A_238, %add3A_263, %not3A_258 : vector<16xf32>, vector<16xf32>, i32, i1
    }
    %while3A_204 = arith.constant 0 : i32
    %while3A_205 = arith.constant 0 : i32
    %while3A_206 = arith.subi %squeeze3A, %while3A_205 : i32
    %while3A_207 = arith.addi %while3A_205, %while3A_206 : i32
    %while3A_208 = arith.constant 1 : i32
    %while3A_209 = arith.divsi %while3A_206, %while3A_208 : i32
    %while3A_210 = arith.muli %while3A_209, %while3A_208 : i32
    %while3A_211 = arith.addi %while3A_205, %while3A_210 : i32
    %while3A_212 = arith.constant 1 : i32
    scf.for %while3A_214 = %while3A_205 to %while3A_211 step %while3A_212  : i32 {
      %get3A_215 = arith.index_cast %while3A_214 : i32 to index
      %get3A_216 = tpu.vector_load %arg15[%get3A_215] {strides = array<i32>} : memref<96xi32, #tpu.memory_space<vmem>>, vector<16xi32>,
      %slice3A_217 = vector.extract_strided_slice %get3A_216 {offsets = [0], sizes = [1], strides = [1]} : vector<16xi32> to vector<1xi32>
      %squeeze3A_218 = vector.extract %slice3A_217[0] : i32 from vector<1xi32>
      %add3A_219 = arith.constant 16 : i32
      %add3A_220 = arith.addi %add3A_219, %while3A_214 : i32
      %get3A_221 = arith.index_cast %add3A_220 : i32 to index
      %get3A_222 = tpu.vector_load %arg15[%get3A_221] {strides = array<i32>} : memref<96xi32, #tpu.memory_space<vmem>>, vector<16xi32>,
      %slice3A_223 = vector.extract_strided_slice %get3A_222 {offsets = [0], sizes = [1], strides = [1]} : vector<16xi32> to vector<1xi32>
      %squeeze3A_224 = vector.extract %slice3A_223[0] : i32 from vector<1xi32>
      %add3A_225 = arith.constant 32 : i32
      %add3A_226 = arith.addi %add3A_225, %while3A_214 : i32
      %get3A_227 = arith.index_cast %add3A_226 : i32 to index
      %get3A_228 = tpu.vector_load %arg15[%get3A_227] {strides = array<i32>} : memref<96xi32, #tpu.memory_space<vmem>>, vector<16xi32>,
      %slice3A_229 = vector.extract_strided_slice %get3A_228 {offsets = [0], sizes = [1], strides = [1]} : vector<16xi32> to vector<1xi32>
      %squeeze3A_230 = vector.extract %slice3A_229[0] : i32 from vector<1xi32>
      %get3A_231 = arith.index_cast %squeeze3A_218 : i32 to index
      %get3A_232 = tpu.vector_load %arg9[%get3A_231] {strides = array<i32>} : memref<16xf32, #tpu.memory_space<vmem>>, vector<16xf32>,
      %slice3A_233 = vector.extract_strided_slice %get3A_232 {offsets = [0], sizes = [1], strides = [1]} : vector<16xf32> to vector<1xf32>
      %squeeze3A_234 = vector.extract %slice3A_233[0] : f32 from vector<1xf32>
      %add3A_235 = vector.broadcast %squeeze3A_234 : f32 to vector<16xf32>
      %add3A_236 = arith.addf %broadcast_in_dim3A_18, %add3A_235 : vector<16xf32>
      %jit3A_237 = arith.constant 16 : i32
      %div3A_238 = arith.divsi %squeeze3A_224, %jit3A_237 : i32
      %sign3A = arith.constant 0 : i32
      %sign3A_239 = arith.cmpi sgt, %squeeze3A_224, %sign3A : i32
      %sign3A_240 = arith.extui %sign3A_239 : i1 to i32
      %sign3A_241 = arith.constant 0 : i32
      %sign3A_242 = arith.cmpi slt, %squeeze3A_224, %sign3A_241 : i32
      %sign3A_243 = arith.extui %sign3A_242 : i1 to i32
      %sign3A_244 = arith.subi %sign3A_240, %sign3A_243 : i32
      %sign3A_245 = arith.constant 0 : i32
      %sign3A_246 = arith.cmpi sgt, %jit3A_237, %sign3A_245 : i32
      %sign3A_247 = arith.extui %sign3A_246 : i1 to i32
      %sign3A_248 = arith.constant 0 : i32
      %sign3A_249 = arith.cmpi slt, %jit3A_237, %sign3A_248 : i32
      %sign3A_250 = arith.extui %sign3A_249 : i1 to i32
      %sign3A_251 = arith.subi %sign3A_247, %sign3A_250 : i32
      %ne3A = arith.cmpi ne, %sign3A_244, %sign3A_251 : i32
      %rem3A = arith.remsi %squeeze3A_224, %jit3A_237 : i32
      %ne3A_252 = arith.constant 0 : i32
      %ne3A_253 = arith.cmpi ne, %rem3A, %ne3A_252 : i32
      %and3A = arith.andi %ne3A, %ne3A_253 : i1
      %sub3A_254 = arith.constant 1 : i32
      %sub3A_255 = arith.subi %div3A_238, %sub3A_254 : i32
      %select_n3A = arith.select %and3A, %sub3A_255, %div3A_238 : i32
      %add3A_256 = arith.constant 16 : i32
      %add3A_257 = arith.addi %squeeze3A_230, %add3A_256 : i32
      %sub3A_258 = arith.constant 1 : i32
      %sub3A_259 = arith.subi %add3A_257, %sub3A_258 : i32
      %jit3A_260 = arith.constant 16 : i32
      %div3A_261 = arith.divsi %sub3A_259, %jit3A_260 : i32
      %sign3A_262 = arith.constant 0 : i32
      %sign3A_263 = arith.cmpi sgt, %sub3A_259, %sign3A_262 : i32
      %sign3A_264 = arith.extui %sign3A_263 : i1 to i32
      %sign3A_265 = arith.constant 0 : i32
      %sign3A_266 = arith.cmpi slt, %sub3A_259, %sign3A_265 : i32
      %sign3A_267 = arith.extui %sign3A_266 : i1 to i32
      %sign3A_268 = arith.subi %sign3A_264, %sign3A_267 : i32
      %sign3A_269 = arith.constant 0 : i32
      %sign3A_270 = arith.cmpi sgt, %jit3A_260, %sign3A_269 : i32
      %sign3A_271 = arith.extui %sign3A_270 : i1 to i32
      %sign3A_272 = arith.constant 0 : i32
      %sign3A_273 = arith.cmpi slt, %jit3A_260, %sign3A_272 : i32
      %sign3A_274 = arith.extui %sign3A_273 : i1 to i32
      %sign3A_275 = arith.subi %sign3A_271, %sign3A_274 : i32
      %ne3A_276 = arith.cmpi ne, %sign3A_268, %sign3A_275 : i32
      %rem3A_277 = arith.remsi %sub3A_259, %jit3A_260 : i32
      %ne3A_278 = arith.constant 0 : i32
      %ne3A_279 = arith.cmpi ne, %rem3A_277, %ne3A_278 : i32
      %and3A_280 = arith.andi %ne3A_276, %ne3A_279 : i1
      %sub3A_281 = arith.constant 1 : i32
      %sub3A_282 = arith.subi %div3A_261, %sub3A_281 : i32
      %select_n3A_283 = arith.select %and3A_280, %sub3A_282, %div3A_261 : i32
      %while3A_284 = arith.constant 0 : i32
      %while3A_285 = arith.subi %select_n3A_283, %select_n3A : i32
      %while3A_286 = arith.addi %select_n3A, %while3A_285 : i32
      %while3A_287 = arith.constant 1 : i32
      %while3A_288 = arith.divsi %while3A_285, %while3A_287 : i32
      %while3A_289 = arith.muli %while3A_288, %while3A_287 : i32
      %while3A_290 = arith.addi %select_n3A, %while3A_289 : i32
      %while3A_291 = arith.constant 1 : i32
      scf.for %while3A_293 = %select_n3A to %while3A_290 step %while3A_291  : i32 {
        %mul3A_294 = arith.constant 16 : i32
        %mul3A_295 = arith.muli %while3A_293, %mul3A_294 : i32
        %get3A_296 = arith.index_cast %mul3A_295 : i32 to index
        %get3A_297 = tpu.vector_load %arg5[%get3A_296] {strides = array<i32>} : memref<2048xf32, #tpu.memory_space<vmem>>, vector<16xf32>,
        %add3A_298 = vector.broadcast %mul3A_295 : i32 to vector<16xi32>
        %add3A_299 = arith.addi %add3A_298, %iota3A_21 : vector<16xi32>
        %ge3A = vector.broadcast %squeeze3A_224 : i32 to vector<16xi32>
        %ge3A_300 = arith.cmpi sge, %add3A_299, %ge3A : vector<16xi32>
        %lt3A_301 = vector.broadcast %squeeze3A_230 : i32 to vector<16xi32>
        %lt3A_302 = arith.cmpi slt, %add3A_299, %lt3A_301 : vector<16xi32>
        %and3A_303 = arith.andi %ge3A_300, %lt3A_302 : vector<16xi1>
        %sub3A_304 = arith.subf %get3A_297, %add3A_236 : vector<16xf32>
        %max3A_305 = arith.constant 0.000000e+00 : f32
        %max3A_306 = vector.broadcast %max3A_305 : f32 to vector<16xf32>
        %max3A_307 = arith.maximumf %sub3A_304, %max3A_306 : vector<16xf32>
        %get3A_308 = arith.index_cast %mul3A_295 : i32 to index
        %get3A_309 = tpu.vector_load %arg7[%get3A_308] {strides = array<i32>} : memref<2048xf32, #tpu.memory_space<vmem>>, vector<16xf32>,
        %select_n3A_310 = arith.select %and3A_303, %max3A_307, %get3A_309 : vector<16xi1>, vector<16xf32>
        %swap3A_311 = arith.index_cast %mul3A_295 : i32 to index
        %swap3A_312 = tpu.vector_load %arg7[%swap3A_311] {strides = array<i32>} : memref<2048xf32, #tpu.memory_space<vmem>>, vector<16xf32>,
        tpu.vector_store %arg7[%swap3A_311], %select_n3A_310 {strides = array<i32>} : memref<2048xf32, #tpu.memory_space<vmem>>, vector<16xf32>,
      }
      %while3A_292 = arith.constant 1 : i32
      scf.for %while3A_293 = %while3A_290 to %while3A_286 step %while3A_292  : i32 {
        %mul3A_294 = arith.constant 16 : i32
        %mul3A_295 = arith.muli %while3A_293, %mul3A_294 : i32
        %get3A_296 = arith.index_cast %mul3A_295 : i32 to index
        %get3A_297 = tpu.vector_load %arg5[%get3A_296] {strides = array<i32>} : memref<2048xf32, #tpu.memory_space<vmem>>, vector<16xf32>,
        %add3A_298 = vector.broadcast %mul3A_295 : i32 to vector<16xi32>
        %add3A_299 = arith.addi %add3A_298, %iota3A_21 : vector<16xi32>
        %ge3A = vector.broadcast %squeeze3A_224 : i32 to vector<16xi32>
        %ge3A_300 = arith.cmpi sge, %add3A_299, %ge3A : vector<16xi32>
        %lt3A_301 = vector.broadcast %squeeze3A_230 : i32 to vector<16xi32>
        %lt3A_302 = arith.cmpi slt, %add3A_299, %lt3A_301 : vector<16xi32>
        %and3A_303 = arith.andi %ge3A_300, %lt3A_302 : vector<16xi1>
        %sub3A_304 = arith.subf %get3A_297, %add3A_236 : vector<16xf32>
        %max3A_305 = arith.constant 0.000000e+00 : f32
        %max3A_306 = vector.broadcast %max3A_305 : f32 to vector<16xf32>
        %max3A_307 = arith.maximumf %sub3A_304, %max3A_306 : vector<16xf32>
        %get3A_308 = arith.index_cast %mul3A_295 : i32 to index
        %get3A_309 = tpu.vector_load %arg7[%get3A_308] {strides = array<i32>} : memref<2048xf32, #tpu.memory_space<vmem>>, vector<16xf32>,
        %select_n3A_310 = arith.select %and3A_303, %max3A_307, %get3A_309 : vector<16xi1>, vector<16xf32>
        %swap3A_311 = arith.index_cast %mul3A_295 : i32 to index
        %swap3A_312 = tpu.vector_load %arg7[%swap3A_311] {strides = array<i32>} : memref<2048xf32, #tpu.memory_space<vmem>>, vector<16xf32>,
        tpu.vector_store %arg7[%swap3A_311], %select_n3A_310 {strides = array<i32>} : memref<2048xf32, #tpu.memory_space<vmem>>, vector<16xf32>,
      }
    }
    %while3A_213 = arith.constant 1 : i32
    scf.for %while3A_214 = %while3A_211 to %while3A_207 step %while3A_213  : i32 {
      %get3A_215 = arith.index_cast %while3A_214 : i32 to index
      %get3A_216 = tpu.vector_load %arg15[%get3A_215] {strides = array<i32>} : memref<96xi32, #tpu.memory_space<vmem>>, vector<16xi32>,
      %slice3A_217 = vector.extract_strided_slice %get3A_216 {offsets = [0], sizes = [1], strides = [1]} : vector<16xi32> to vector<1xi32>
      %squeeze3A_218 = vector.extract %slice3A_217[0] : i32 from vector<1xi32>
      %add3A_219 = arith.constant 16 : i32
      %add3A_220 = arith.addi %add3A_219, %while3A_214 : i32
      %get3A_221 = arith.index_cast %add3A_220 : i32 to index
      %get3A_222 = tpu.vector_load %arg15[%get3A_221] {strides = array<i32>} : memref<96xi32, #tpu.memory_space<vmem>>, vector<16xi32>,
      %slice3A_223 = vector.extract_strided_slice %get3A_222 {offsets = [0], sizes = [1], strides = [1]} : vector<16xi32> to vector<1xi32>
      %squeeze3A_224 = vector.extract %slice3A_223[0] : i32 from vector<1xi32>
      %add3A_225 = arith.constant 32 : i32
      %add3A_226 = arith.addi %add3A_225, %while3A_214 : i32
      %get3A_227 = arith.index_cast %add3A_226 : i32 to index
      %get3A_228 = tpu.vector_load %arg15[%get3A_227] {strides = array<i32>} : memref<96xi32, #tpu.memory_space<vmem>>, vector<16xi32>,
      %slice3A_229 = vector.extract_strided_slice %get3A_228 {offsets = [0], sizes = [1], strides = [1]} : vector<16xi32> to vector<1xi32>
      %squeeze3A_230 = vector.extract %slice3A_229[0] : i32 from vector<1xi32>
      %get3A_231 = arith.index_cast %squeeze3A_218 : i32 to index
      %get3A_232 = tpu.vector_load %arg9[%get3A_231] {strides = array<i32>} : memref<16xf32, #tpu.memory_space<vmem>>, vector<16xf32>,
      %slice3A_233 = vector.extract_strided_slice %get3A_232 {offsets = [0], sizes = [1], strides = [1]} : vector<16xf32> to vector<1xf32>
      %squeeze3A_234 = vector.extract %slice3A_233[0] : f32 from vector<1xf32>
      %add3A_235 = vector.broadcast %squeeze3A_234 : f32 to vector<16xf32>
      %add3A_236 = arith.addf %broadcast_in_dim3A_18, %add3A_235 : vector<16xf32>
      %jit3A_237 = arith.constant 16 : i32
      %div3A_238 = arith.divsi %squeeze3A_224, %jit3A_237 : i32
      %sign3A = arith.constant 0 : i32
      %sign3A_239 = arith.cmpi sgt, %squeeze3A_224, %sign3A : i32
      %sign3A_240 = arith.extui %sign3A_239 : i1 to i32
      %sign3A_241 = arith.constant 0 : i32
      %sign3A_242 = arith.cmpi slt, %squeeze3A_224, %sign3A_241 : i32
      %sign3A_243 = arith.extui %sign3A_242 : i1 to i32
      %sign3A_244 = arith.subi %sign3A_240, %sign3A_243 : i32
      %sign3A_245 = arith.constant 0 : i32
      %sign3A_246 = arith.cmpi sgt, %jit3A_237, %sign3A_245 : i32
      %sign3A_247 = arith.extui %sign3A_246 : i1 to i32
      %sign3A_248 = arith.constant 0 : i32
      %sign3A_249 = arith.cmpi slt, %jit3A_237, %sign3A_248 : i32
      %sign3A_250 = arith.extui %sign3A_249 : i1 to i32
      %sign3A_251 = arith.subi %sign3A_247, %sign3A_250 : i32
      %ne3A = arith.cmpi ne, %sign3A_244, %sign3A_251 : i32
      %rem3A = arith.remsi %squeeze3A_224, %jit3A_237 : i32
      %ne3A_252 = arith.constant 0 : i32
      %ne3A_253 = arith.cmpi ne, %rem3A, %ne3A_252 : i32
      %and3A = arith.andi %ne3A, %ne3A_253 : i1
      %sub3A_254 = arith.constant 1 : i32
      %sub3A_255 = arith.subi %div3A_238, %sub3A_254 : i32
      %select_n3A = arith.select %and3A, %sub3A_255, %div3A_238 : i32
      %add3A_256 = arith.constant 16 : i32
      %add3A_257 = arith.addi %squeeze3A_230, %add3A_256 : i32
      %sub3A_258 = arith.constant 1 : i32
      %sub3A_259 = arith.subi %add3A_257, %sub3A_258 : i32
      %jit3A_260 = arith.constant 16 : i32
      %div3A_261 = arith.divsi %sub3A_259, %jit3A_260 : i32
      %sign3A_262 = arith.constant 0 : i32
      %sign3A_263 = arith.cmpi sgt, %sub3A_259, %sign3A_262 : i32
      %sign3A_264 = arith.extui %sign3A_263 : i1 to i32
      %sign3A_265 = arith.constant 0 : i32
      %sign3A_266 = arith.cmpi slt, %sub3A_259, %sign3A_265 : i32
      %sign3A_267 = arith.extui %sign3A_266 : i1 to i32
      %sign3A_268 = arith.subi %sign3A_264, %sign3A_267 : i32
      %sign3A_269 = arith.constant 0 : i32
      %sign3A_270 = arith.cmpi sgt, %jit3A_260, %sign3A_269 : i32
      %sign3A_271 = arith.extui %sign3A_270 : i1 to i32
      %sign3A_272 = arith.constant 0 : i32
      %sign3A_273 = arith.cmpi slt, %jit3A_260, %sign3A_272 : i32
      %sign3A_274 = arith.extui %sign3A_273 : i1 to i32
      %sign3A_275 = arith.subi %sign3A_271, %sign3A_274 : i32
      %ne3A_276 = arith.cmpi ne, %sign3A_268, %sign3A_275 : i32
      %rem3A_277 = arith.remsi %sub3A_259, %jit3A_260 : i32
      %ne3A_278 = arith.constant 0 : i32
      %ne3A_279 = arith.cmpi ne, %rem3A_277, %ne3A_278 : i32
      %and3A_280 = arith.andi %ne3A_276, %ne3A_279 : i1
      %sub3A_281 = arith.constant 1 : i32
      %sub3A_282 = arith.subi %div3A_261, %sub3A_281 : i32
      %select_n3A_283 = arith.select %and3A_280, %sub3A_282, %div3A_261 : i32
      %while3A_284 = arith.constant 0 : i32
      %while3A_285 = arith.subi %select_n3A_283, %select_n3A : i32
      %while3A_286 = arith.addi %select_n3A, %while3A_285 : i32
      %while3A_287 = arith.constant 1 : i32
      %while3A_288 = arith.divsi %while3A_285, %while3A_287 : i32
      %while3A_289 = arith.muli %while3A_288, %while3A_287 : i32
      %while3A_290 = arith.addi %select_n3A, %while3A_289 : i32
      %while3A_291 = arith.constant 1 : i32
      scf.for %while3A_293 = %select_n3A to %while3A_290 step %while3A_291  : i32 {
        %mul3A_294 = arith.constant 16 : i32
        %mul3A_295 = arith.muli %while3A_293, %mul3A_294 : i32
        %get3A_296 = arith.index_cast %mul3A_295 : i32 to index
        %get3A_297 = tpu.vector_load %arg5[%get3A_296] {strides = array<i32>} : memref<2048xf32, #tpu.memory_space<vmem>>, vector<16xf32>,
        %add3A_298 = vector.broadcast %mul3A_295 : i32 to vector<16xi32>
        %add3A_299 = arith.addi %add3A_298, %iota3A_21 : vector<16xi32>
        %ge3A = vector.broadcast %squeeze3A_224 : i32 to vector<16xi32>
        %ge3A_300 = arith.cmpi sge, %add3A_299, %ge3A : vector<16xi32>
        %lt3A_301 = vector.broadcast %squeeze3A_230 : i32 to vector<16xi32>
        %lt3A_302 = arith.cmpi slt, %add3A_299, %lt3A_301 : vector<16xi32>
        %and3A_303 = arith.andi %ge3A_300, %lt3A_302 : vector<16xi1>
        %sub3A_304 = arith.subf %get3A_297, %add3A_236 : vector<16xf32>
        %max3A_305 = arith.constant 0.000000e+00 : f32
        %max3A_306 = vector.broadcast %max3A_305 : f32 to vector<16xf32>
        %max3A_307 = arith.maximumf %sub3A_304, %max3A_306 : vector<16xf32>
        %get3A_308 = arith.index_cast %mul3A_295 : i32 to index
        %get3A_309 = tpu.vector_load %arg7[%get3A_308] {strides = array<i32>} : memref<2048xf32, #tpu.memory_space<vmem>>, vector<16xf32>,
        %select_n3A_310 = arith.select %and3A_303, %max3A_307, %get3A_309 : vector<16xi1>, vector<16xf32>
        %swap3A_311 = arith.index_cast %mul3A_295 : i32 to index
        %swap3A_312 = tpu.vector_load %arg7[%swap3A_311] {strides = array<i32>} : memref<2048xf32, #tpu.memory_space<vmem>>, vector<16xf32>,
        tpu.vector_store %arg7[%swap3A_311], %select_n3A_310 {strides = array<i32>} : memref<2048xf32, #tpu.memory_space<vmem>>, vector<16xf32>,
      }
      %while3A_292 = arith.constant 1 : i32
      scf.for %while3A_293 = %while3A_290 to %while3A_286 step %while3A_292  : i32 {
        %mul3A_294 = arith.constant 16 : i32
        %mul3A_295 = arith.muli %while3A_293, %mul3A_294 : i32
        %get3A_296 = arith.index_cast %mul3A_295 : i32 to index
        %get3A_297 = tpu.vector_load %arg5[%get3A_296] {strides = array<i32>} : memref<2048xf32, #tpu.memory_space<vmem>>, vector<16xf32>,
        %add3A_298 = vector.broadcast %mul3A_295 : i32 to vector<16xi32>
        %add3A_299 = arith.addi %add3A_298, %iota3A_21 : vector<16xi32>
        %ge3A = vector.broadcast %squeeze3A_224 : i32 to vector<16xi32>
        %ge3A_300 = arith.cmpi sge, %add3A_299, %ge3A : vector<16xi32>
        %lt3A_301 = vector.broadcast %squeeze3A_230 : i32 to vector<16xi32>
        %lt3A_302 = arith.cmpi slt, %add3A_299, %lt3A_301 : vector<16xi32>
        %and3A_303 = arith.andi %ge3A_300, %lt3A_302 : vector<16xi1>
        %sub3A_304 = arith.subf %get3A_297, %add3A_236 : vector<16xf32>
        %max3A_305 = arith.constant 0.000000e+00 : f32
        %max3A_306 = vector.broadcast %max3A_305 : f32 to vector<16xf32>
        %max3A_307 = arith.maximumf %sub3A_304, %max3A_306 : vector<16xf32>
        %get3A_308 = arith.index_cast %mul3A_295 : i32 to index
        %get3A_309 = tpu.vector_load %arg7[%get3A_308] {strides = array<i32>} : memref<2048xf32, #tpu.memory_space<vmem>>, vector<16xf32>,
        %select_n3A_310 = arith.select %and3A_303, %max3A_307, %get3A_309 : vector<16xi1>, vector<16xf32>
        %swap3A_311 = arith.index_cast %mul3A_295 : i32 to index
        %swap3A_312 = tpu.vector_load %arg7[%swap3A_311] {strides = array<i32>} : memref<2048xf32, #tpu.memory_space<vmem>>, vector<16xf32>,
        tpu.vector_store %arg7[%swap3A_311], %select_n3A_310 {strides = array<i32>} : memref<2048xf32, #tpu.memory_space<vmem>>, vector<16xf32>,
      }
    }
    "tpu.region"() ({
      %run_scoped3A = tpu.sem_alloc : memref<!tpu.dma_semaphore, #tpu.memory_space<semaphore_mem>>
      %dma_start3A_214 = tpu.memref_slice %arg4[%mul3A_0] : memref<32768xf32, #tpu.memory_space<hbm>> -> memref<2048xf32, #tpu.memory_space<hbm>>
      %dma_start3A_215 = tpu.memref_slice %arg4[%mul3A_0] : memref<32768xf32, #tpu.memory_space<hbm>> -> memref<2048xf32, #tpu.memory_space<hbm>>
      tpu.enqueue_dma source(%arg7 : memref<2048xf32, #tpu.memory_space<vmem>>) target(%dma_start3A_215 : memref<2048xf32, #tpu.memory_space<hbm>>) target_semaphore(%run_scoped3A : memref<!tpu.dma_semaphore, #tpu.memory_space<semaphore_mem>>)
      %dma_wait3A_216 = tpu.memref_slice %arg4[%mul3A_0] : memref<32768xf32, #tpu.memory_space<hbm>> -> memref<2048xf32, #tpu.memory_space<hbm>>
      %dma_wait3A_217 = tpu.memref_slice %arg4[%mul3A_0] : memref<32768xf32, #tpu.memory_space<hbm>> -> memref<2048xf32, #tpu.memory_space<hbm>>
      tpu.wait_dma2 semaphore(%run_scoped3A : memref<!tpu.dma_semaphore, #tpu.memory_space<semaphore_mem>>) src(%arg7 : memref<2048xf32, #tpu.memory_space<vmem>>) dst(%dma_wait3A_217 : memref<2048xf32, #tpu.memory_space<hbm>>)
      tpu.yield
    }) : () -> ()
    return
  }
}

</mosaic_0001>

<sc_bundles>
// kernel: _sparsemax_sc.3.cloned.1.call-start
scs
__scs_entry_jumppad:
0x0: {  	(pc) =	sbr.rel $0x88, $3  }
0x1: {  	(tag) =	ssettag $0x0;
	lr =	simm.s32 $0x1  }
0x2: {  	[smem:$0x3F9F] =	sst lr;
	_ =	strace $0xD0000000  }
0x3: {  	_ = 	snop  }
0x4: {  	_ = 	snop  }
0x5: {  	_ = 	snop  }
0x6: {  	_ = 	snop  }
0x7: {  	_ = 	snop  }
__scs_overlays_trampoline_lowered:
0x8: {  	[smem:$0x3FAE] =	sst s0  }
0x9: {  	[smem:$0x3FAF] =	sst s1  }
0xa: {  	[smem:$0x3FB0] =	sst s2  }
0xb: {  	[smem:$0x3FB1] =	sst s3  }
0xc: {  	[smem:$0x3FB2] =	sst s4  }
0xd: {  	[smem:$0x3FB3] =	sst s5  }
0xe: {  	[smem:$0x3FB4] =	sst s6  }
0xf: {  	[smem:$0x3FB5] =	sst s7  }
0x10: {  	[smem:$0x3FB6] =	sst s8  }
0x11: {  	[smem:$0x3FB7] =	sst s9;
	s0 =	simm.s32 @!p0 $0x0  }
0x12: {  	s1 =	sld [smem:$0x3F9D];
	s0 =	simm.s32 @p0 $0x1  }
0x13: {  	[smem:$0x3FB8] =	sst s0;
	s0 =	simm.s32 @!p1 $0x0  }
0x14: {  	s2 =	sld [smem:$0x3F9C];
	s0 =	simm.s32 @p1 $0x1  }
0x15: {  	[smem:$0x3FB9] =	sst s0;
	s0 =	simm.s32 @!p2 $0x0  }
0x16: {  	s3 =	sld [smem:$0x3FDB];
	s0 =	simm.s32 @p2 $0x1  }
0x17: {  	s4 =	simm.s32 $0x1BF5;
	[smem:$0x3FBB] =	sst s0  }
0x18: {  	s0 =	sld [smem:$0x3F9E];
	_ =	swait.ge [sflag:s4], $0x0  }
0x19: {  	s7 =	sld [smem:$0x3F9F]  }
0x1a: {  	s8 =	sadd.s32 $0xFFFFE003, lr  }
0x1b: {  	s9 =	sadd.s32 $0xFFFFFEF7, lr;
	s5 =	simm.s32 $0xFFFFFFFF;
	p2 =	slt.u32 s8, $0xFFFFF086  }
0x1c: {  	p1 =	slt.u32 s9, $0xF7A;
	s5 =	simm.s32 @!p2 $0x0  }
0x1d: {  	s5 =	simm.s32 @p1 $0x1;
	p0 =	seq.s32 s7, s2  }
0x1e: {  	s7 =	smul.u32 @!p0 $0xF7A, s2;
	p2 =	seq.s32 @!p0 s5, $0x0  }
0x1f: {  	s9 =	smul.u32 $0xF7A, s1;
	s8 =	simm.s32 @!p0 $0x1BF5;
	p2 =	por !p2, p0  }
0x20: {  	[sflag:s8] =	ssyncset.s32 @!p0 $0xFFFFF086;
	s6 =	sadd.s32 @!p0 s3, s7;
	s7 =	simm.s32 @!p0 $0x108  }
0x21: {  	s3 =	sadd.s32 s3, s9;
	s6 =	sadd.s32 @!p0 $0x88, s6;
	s7 =	simm.s32 @p2 $0x1082  }
0x22: {  	[simem:s7], [sflag:s8] =	dma.local @!p0 [hbm:s6], $0xF7A  }
0x23: {  	s9 =	sor.u32 $0xD0000000, s2;
	s6 =	simm.s32 $0x108;
	_ =	swait.ge @!p0 [sflag:s8], $0x0  }
0x24: {  	s3 =	sadd.s32 $0x88, s3;
	s6 =	simm.s32 @!p1 $0x1082;
	[sflag:s4] =	ssyncset.s32 $0xFFFFF086  }
0x25: {  	[simem:s6], [sflag:s4] =	dma.local [hbm:s3], $0xF7A  }
0x26: {  	[smem:$0x3F9F] =	sst s1;
	(tag) =	ssettag s2;
	_ =	strace s9  }
0x27: {  	s1 =	sld [smem:$0x3FAF]  }
0x28: {  	s2 =	sld [smem:$0x3FB0]  }
0x29: {  	s4 =	sld [smem:$0x3FB2]  }
0x2a: {  	p0 =	seq.s32 s5, $0x0;
	s5 =	sld [smem:$0x3FB3]  }
0x2b: {  	s6 =	sld [smem:$0x3FB4]  }
0x2c: {  	s7 =	sld [smem:$0x3FB5]  }
0x2d: {  	s3 =	simm.s32 $0x108;
	s8 =	sld [smem:$0x3FB6]  }
0x2e: {  	s3 =	simm.s32 @!p0 $0x1082;
	s9 =	sld [smem:$0x3FB7]  }
0x2f: {  	lr =	sadd.s32 s0, s3;
	s0 =	sld [smem:$0x3FAE]  }
0x30: {  	s3 =	sld [smem:$0x3FB1]  }
0x31: {  	[smem:$0x3FBA] =	sst s10  }
0x32: {  	s10 =	sld [smem:$0x3FB8];
	_ =	sdelay $0x3  }
0x33: {  	p0 =	seq.s32 s10, $0x1;
	s10 =	sld [smem:$0x3FBA];
	_ =	sdelay $0x3  }
0x34: {  	[smem:$0x3FBA] =	sst s10  }
0x35: {  	s10 =	sld [smem:$0x3FB9];
	_ =	sdelay $0x3  }
0x36: {  	p1 =	seq.s32 s10, $0x1;
	s10 =	sld [smem:$0x3FBA];
	_ =	sdelay $0x3  }
0x37: {  	[smem:$0x3FBA] =	sst s10  }
0x38: {  	s10 =	sld [smem:$0x3FBB]  }
0x39: {  	_ = 	snop;
	(pc) =	sbr.ind lr, $3  }
0x3a: {  	_ = 	snop  }
0x3b: {  	_ = 	snop  }
0x3c: {  	p2 =	seq.s32 s10, $0x1;
	s10 =	sld [smem:$0x3FBA]  }
0x3d: {  	_ =	shalt  }
0x3e: {  	_ =	shalt  }
0x3f: {  	_ =	shalt  }
0x40: {  	_ =	shalt  }
0x41: {  	_ =	shalt  }
0x42: {  	_ =	shalt  }
0x43: {  	_ =	shalt  }
0x44: {  	_ =	shalt  }
0x45: {  	_ =	shalt  }
0x46: {  	_ =	shalt  }
0x47: {  	_ =	shalt  }
0x48: {  	_ =	shalt  }
0x49: {  	_ =	shalt  }
0x4a: {  	_ =	shalt  }
0x4b: {  	_ =	shalt  }
0x4c: {  	_ =	shalt  }
0x4d: {  	_ =	shalt  }
0x4e: {  	_ =	shalt  }
0x4f: {  	_ =	shalt  }
0x50: {  	_ =	shalt  }
0x51: {  	_ =	shalt  }
0x52: {  	_ =	shalt  }
0x53: {  	_ =	shalt  }
0x54: {  	_ =	shalt  }
0x55: {  	_ =	shalt  }
0x56: {  	_ =	shalt  }
0x57: {  	_ =	shalt  }
0x58: {  	_ =	shalt  }
0x59: {  	_ =	shalt  }
0x5a: {  	_ =	shalt  }
0x5b: {  	_ =	shalt  }
0x5c: {  	_ =	shalt  }
0x5d: {  	_ =	shalt  }
0x5e: {  	_ =	shalt  }
0x5f: {  	_ =	shalt  }
0x60: {  	_ =	shalt  }
0x61: {  	_ =	shalt  }
0x62: {  	_ =	shalt  }
0x63: {  	_ =	shalt  }
0x64: {  	_ =	shalt  }
0x65: {  	_ =	shalt  }
0x66: {  	_ =	shalt  }
0x67: {  	_ =	shalt  }
0x68: {  	_ =	shalt  }
0x69: {  	_ =	shalt  }
0x6a: {  	_ =	shalt  }
0x6b: {  	_ =	shalt  }
0x6c: {  	_ =	shalt  }
0x6d: {  	_ =	shalt  }
0x6e: {  	_ =	shalt  }
0x6f: {  	_ =	shalt  }
0x70: {  	_ =	shalt  }
0x71: {  	_ =	shalt  }
0x72: {  	_ =	shalt  }
0x73: {  	_ =	shalt  }
0x74: {  	_ =	shalt  }
0x75: {  	_ =	shalt  }
0x76: {  	_ =	shalt  }
0x77: {  	_ =	shalt  }
0x78: {  	_ =	shalt  }
0x79: {  	_ =	shalt  }
0x7a: {  	_ =	shalt  }
0x7b: {  	_ =	shalt  }
0x7c: {  	_ =	shalt  }
0x7d: {  	_ =	shalt  }
0x7e: {  	_ =	shalt  }
0x7f: {  	_ =	shalt  }
0x80: {  	_ =	shalt  }
0x81: {  	_ =	shalt  }
0x82: {  	_ =	shalt  }
0x83: {  	_ =	shalt  }
0x84: {  	_ =	shalt  }
0x85: {  	_ =	shalt  }
0x86: {  	_ =	shalt  }
0x87: {  	_ =	shalt  }
.Lfunc_end0:
.L_simem_size_0:
called_computation_lowered:
.L_overlay_start_0:
0x88: {  	s0 =	sld [smem:$0x3FD9]  }
0x89: {  	s1 =	sld [smem:$0x3FFE];
	_ =	sdelay $0x3  }
0x8a: {  	s0 =	sadd.s32 s1, s0  }
0x8b: {  	[smem:$0x3FC6] =	sst s0  }
0x8c: {  	_ = 	snop  }
0x8d: {  	s0 =	sld [smem:$0x3FC9]  }
0x8e: {  	s17 =	sld [smem:$0x3FC8]  }
0x8f: {  	s2 =	sld [smem:$0x3FD0];
	(tm) =	ssettm $0x1  }
0x90: {  	s3 =	sld [smem:$0x3FFB];
	_ =	sdelay $0x3  }
0x91: {  	_ =	strace s3  }
0x92: {  	s3 =	sld [smem:$0x3FFC];
	_ =	sdelay $0x3  }
0x93: {  	_ =	strace s3  }
0x94: {  	s3 =	sld [smem:$0x3FFD];
	_ =	sdelay $0x3  }
0x95: {  	_ =	strace s3  }
0x96: {  	_ =	strace $0x8FFFFFFF  }
0x97: {  	s18 =	sld [smem:$0x3FDB];
	_ =	sdelay $0x1  }
0x98: {  	s4 =	simm.s32 $_scs_section_size  }
0x99: {  	s5 =	simm.s32 $_size__tile_overlayer_lowered;
	s6 =	simm.s32 $_tile_overlayer_lowered  }
0x9a: {  	s21 =	simm.s32 $0x1BFF;
	s20 =	sshll.u32 s6, $0x1;
	s3 =	sadd.s32 s4, s18  }
0x9b: {  	s7 =	simm.s32 $0x0;
	s19 =	sshll.u32 s5, $0x1;
	s5 =	sadd.s32 s20, s3  }
0x9c: {  	[timem:s7], [sflag:s21] =	dma.local [hbm:s5], s19  }
0x9d: {  	_ =	swait.ge [sflag:s21], s19  }
0x9e: {  	s4 =	ssub.s32 $0x0, s19;
	[sflag:s21] =	ssyncset.done $0x0  }
0x9f: {  	[sflag:s21] =	ssyncadd.s32 s4;
	_ =	sdelay $0x1  }
0xa0: {  	s22 =	simm.s32 $0x1B8B  }
0xa1: {  	_ =	swait.ge [sflag:s22], $0x1  }
0xa2: {  	[sflag:s22] =	ssyncset.done $0x0  }
0xa3: {  	s23 =	simm.s32 $0x1B8E;
	[sflag:s22] =	ssyncadd.s32 $0xFFFFFFFF  }
0xa4: {  	s24 =	simm.s32 $execute0_lowered;
	[smem:$0x3FD2] =	sst s23  }
0xa5: {  	s4 =	sshll.u32 s24, $0x1;
	_ =	strace $0x80000046;
	[dreg:$0x1] =	wrdreg $0xFFFFFFFF  }
0xa6: {  	s25 =	simm.s32 $_size_execute0_lowered;
	s3 =	sadd.s32 s3, s4;
	[dreg:$0x0] =	wrdreg $0x0  }
0xa7: {  	s4 =	sshll.u32 s25, $0x1;
	[dreg:$0x2] =	wrdreg s3  }
0xa8: {  	[dreg:$0x3] =	wrdreg s4  }
0xa9: {  	[dreg:$0x4] =	wrdreg $0xC0  }
0xaa: {  	_ =	task [dreg:s7], $0x5FFFF  }
0xab: {  	[dreg:$0x1] =	wrdreg $0xFFFFFFFF  }
0xac: {  	[dreg:$0x0] =	wrdreg $0x60  }
0xad: {  	[dreg:$0x2] =	wrdreg s0  }
0xae: {  	[dreg:$0x3] =	wrdreg s17  }
0xaf: {  	[dreg:$0x4] =	wrdreg s2  }
0xb0: {  	[dreg:$0x5] =	wrdreg $0x22800  }
0xb1: {  	[dreg:$0x6] =	wrdreg $0x24080  }
0xb2: {  	[dreg:$0x7] =	wrdreg $0x9  }
0xb3: {  	_ =	task.clear_ibuf [dreg:s7], $0x8FFFF;
	_ =	strace $0x90000046  }
0xb4: {  	s26 =	simm.s32 $0x9;
	_ =	strace $0x80000048  }
0xb5: {  	_ =	swait.ge [sflag:s26], $0x1  }
0xb6: {  	[sflag:s26] =	ssyncadd.s32 $0xFFFFFFFF  }
0xb7: {  	_ =	strace $0x90000048  }
0xb8: {  	_ =	sfence  }
0xb9: {  	s28 =	sld [smem:$0x0];
	_ =	sdelay $0x1  }
0xba: {  	s29 =	srdreg.scid  }
0xbb: {  	s30 =	sshll.u32 s29, $0xD;
	s31 =	sshrl.u32 s29, $0x2  }
0xbc: {  	s1 =	sand.u32 $0x1, s29;
	s2 =	sand.u32 $0x4000, s30;
	s0 =	sadd.s32 s31, s28  }
0xbd: {  	s1 =	sor.u32 s2, s1;
	s0 =	sshll.u32 s0, $0x11  }
0xbe: {  	s0 =	sor.u32 s0, s1  }
0xbf: {  	s0 =	sadd.s32 $0x8F2B, s0  }
0xc0: {  	[sflag:s0] =	ssyncadd.remote.s32 $0x1  }
0xc1: {  	_ =	sfence.sel $0xFFFF  }
0xc2: {  	[dreg:$0x0] =	wrdreg $0xFFFFFFFF;
	(pc) =	sbr.abs _section_cstart, $3  }
0xc3: {  	[dreg:$0x1] =	wrdreg $0xFFFFFFFF  }
0xc4: {  	_ =	task.clear_ibuf [dreg:s7], $0x2FFFF;
	_ =	strace $0x9FFFFFFF  }
0xc5: {  	(tm) =	ssettm $0x7FFFFFFF  }
tec
execute0_lowered:
.L_overlay_start_1:
0x0: {  	(tag) =	ssettag $0x1  }
0x1: {  	s6 =	rddreg [dreg:$0x0]  }
0x2: {  	s7 =	rddreg [dreg:$0x1]  }
0x3: {  	s1 =	rddreg [dreg:$0x2]  }
0x4: {  	s2 =	rddreg [dreg:$0x3]  }
0x5: {  	s4 =	rddreg [dreg:$0x4];
	s8 =	simm.s32 $0x0;
	s3 =	stileid.u32  }
0x6: {  	[smem:$0x7FF] =	sst s8;
	s5 =	sshll.u32 s3, $0x8  }
0x7: {  	s0 =	rddreg [dreg:$0x5];
	_ =	strace $0x80000047;
	s6 =	sadd.s32 s6, s5  }
0x8: {  	[tilespmem:s8], [sflag:$0x1] =	stream.linear.gather [hbm4b:s6+s8], $0x800, $0x38;
	[tilespmem:$0x2618] =	vst v63  }
0x9: {  	s9 =	simm.s32 $0x800;
	s25 =	sadd.s32 s7, s5  }
0xa: {  	v2 =	vimm.f32 $0.0e+00;
	[tilespmem:s9], [sflag:$0x2] =	stream.linear.gather [hbm4b:s25+s8], $0x800, $0x38;
	[tilespmem:$0x2618] =	vst v63  }
0xb: {  	v1 =	vlaneseq.u32;
	[tilespmem:$0x2100] =	vst v2  }
0xc: {  	p0 =	sne.s32 s3, $0x0;
	v0 =	vor.u32 $0x10, v1;
	[tilespmem:$0x2200] =	vst v1  }
0xd: {  	[tilespmem:$0x2210] =	vst v0;
	v0 =	vimm.f32 @!p0 $0.0e+00  }
0xe: {  	[tilespmem:$0x2308] =	vst @!p0 v0  }
0xf: {  	s6 =	simm.s32 @!p0 $0x2308;
	[tilespmem:$0x2318] =	vst @!p0 v0  }
0x10: {  	[spmem:s2] =	stream.linear.scatter @!p0 [tilespmem:s6], [sflag:$0x3], $0x80, $0x38;
	[tilespmem:$0x2618] =	vst v63  }
0x11: {  	s6 =	simm.s32 @!p0 $0x3  }
0x12: {  	_ =	swait.ge @!p0 [sflag:s6], $0x80  }
0x13: {  	[sflag:s6] =	ssyncset.done @!p0 $0x0  }
0x14: {  	[sflag:s6] =	ssyncadd.s32 @!p0 $0xFFFFFF80  }
0x15: {  	[tilespmem:$0x2418] =	vst @!p0 v0  }
0x16: {  	[tilespmem:$0x2428] =	vst @!p0 v0  }
0x17: {  	[tilespmem:$0x2438] =	vst @!p0 v0  }
0x18: {  	[tilespmem:$0x2448] =	vst @!p0 v0  }
0x19: {  	[tilespmem:$0x2458] =	vst @!p0 v0  }
0x1a: {  	[tilespmem:$0x2468] =	vst @!p0 v0  }
0x1b: {  	[tilespmem:$0x2478] =	vst @!p0 v0  }
0x1c: {  	[tilespmem:$0x2488] =	vst @!p0 v0  }
0x1d: {  	[tilespmem:$0x2498] =	vst @!p0 v0  }
0x1e: {  	[tilespmem:$0x24A8] =	vst @!p0 v0  }
0x1f: {  	[tilespmem:$0x24B8] =	vst @!p0 v0  }
0x20: {  	[tilespmem:$0x24C8] =	vst @!p0 v0  }
0x21: {  	[tilespmem:$0x24D8] =	vst @!p0 v0  }
0x22: {  	[tilespmem:$0x24E8] =	vst @!p0 v0  }
0x23: {  	[tilespmem:$0x24F8] =	vst @!p0 v0  }
0x24: {  	s8 =	simm.s32 @!p0 $0x2418;
	[tilespmem:$0x2508] =	vst @!p0 v0  }
0x25: {  	[spmem:s4] =	stream.linear.scatter @!p0 [tilespmem:s8], [sflag:$0x3], $0x100, $0x38;
	[tilespmem:$0x2618] =	vst v63  }
0x26: {  	_ =	swait.ge @!p0 [sflag:s6], $0x100  }
0x27: {  	[sflag:s6] =	ssyncset.done @!p0 $0x0  }
0x28: {  	s26 =	simm.s32 $0x1;
	[sflag:s6] =	ssyncadd.s32 @!p0 $0xFFFFFF00  }
0x29: {  	_ =	swait.ge [sflag:s26], $0x800  }
0x2a: {  	s28 =	sshll.u32 s3, $0xB;
	[sflag:s26] =	ssyncset.done $0x0  }
0x2b: {  	s30 =	simm.s32 $0x2;
	s29 =	sshrl.u32 s28, $0x3;
	[sflag:s26] =	ssyncadd.s32 $0xFFFFF800  }
0x2c: {  	s7 =	sadd.s32 s7, s29;
	_ =	swait.ge [sflag:s30], $0x800  }
0x2d: {  	p1 =	sne.s32 s3, $0xF;
	s7 =	sadd.s32 $0x100, s7;
	[sflag:s30] =	ssyncset.done $0x0  }
0x2e: {  	s9 =	simm.s32 @p1 $0x1000;
	s6 =	simm.s32 @p1 $0x0;
	[sflag:s30] =	ssyncadd.s32 $0xFFFFF800  }
0x2f: {  	[tilespmem:s9], [sflag:$0x3] =	stream.linear.gather @p1 [hbm4b:s7+s6], $0x10, $0x38;
	[tilespmem:$0x2618] =	vst v63  }
0x30: {  	s6 =	simm.s32 @p1 $0x3  }
0x31: {  	_ =	swait.ge @p1 [sflag:s6], $0x10  }
0x32: {  	[sflag:s6] =	ssyncset.done @p1 $0x0  }
0x33: {  	v0 =	vimm.s32 @!p1 $0x10;
	[sflag:s6] =	ssyncadd.s32 @p1 $0xFFFFFFF0  }
0x34: {  	[tilespmem:$0x1000] =	vst @!p1 v0  }
0x35: {  	[bflag:$0x0] =	sbarrier.arrive $0xFFFF  }
0x36: {  	s31 =	sshll.u32 s3, $0x4;
	s1 =	sadd.s32 s1, s5;
	s3 =	sadd.s32 $0x71, s28;
	[tilespmem:$0x2180] =	vst v2  }
0x37: {  	v4 =	vmov s28;
	s5 =	simm.s32 $0xFFFFFFF8;
	s7 =	simm.s32 $0x2180;
	s6 =	simm.s32 $0x840;
	v0 =	vor.u32 s31, v1;
	[tilespmem:$0x2190] =	vst v2  }
.LBB2_1:
0x38: {  	v2 =	vld [tilespmem:s6+$0xFFFFFFC0]  }
0x39: {  	v3 =	vld [tilespmem:s6+$0xFFFFFFC1];
	_ =	sdelay $0x4  }
0x3a: {  	vm0 =	vne.s32 v2, v3  }
0x3b: {  	v2 =	vadd.s32 $0x10, v2  }
0x3c: {  	s8 =	sadd.s32 $0xFFFFFF90, s3  }
0x3d: {  	v3 =	vadd.s32 s8, v1  }
0x3e: {  	v3 =	vcvt.s32.f32 v3;
	_ =	sdelay $0x1  }
0x3f: {  	[tilespmem:v2+s7+$0x0] =	vst.idx.add.f32.msk vm0, v3  }
0x40: {  	v2 =	vld [tilespmem:s6+$0xFFFFFFD0]  }
0x41: {  	v3 =	vld [tilespmem:s6+$0xFFFFFFD1];
	_ =	sdelay $0x4  }
0x42: {  	vm9 =	vne.s32 v2, v3  }
0x43: {  	v2 =	vadd.s32 $0x10, v2  }
0x44: {  	s25 =	sadd.s32 $0xFFFFFFA0, s3  }
0x45: {  	v3 =	vadd.s32 s25, v1  }
0x46: {  	v3 =	vcvt.s32.f32 v3;
	_ =	sdelay $0x1  }
0x47: {  	[tilespmem:v2+s7+$0x0] =	vst.idx.add.f32.msk vm9, v3  }
0x48: {  	v2 =	vld [tilespmem:s6+$0xFFFFFFE0]  }
0x49: {  	v3 =	vld [tilespmem:s6+$0xFFFFFFE1];
	_ =	sdelay $0x4  }
0x4a: {  	vm10 =	vne.s32 v2, v3  }
0x4b: {  	v2 =	vadd.s32 $0x10, v2  }
0x4c: {  	s26 =	sadd.s32 $0xFFFFFFB0, s3  }
0x4d: {  	v3 =	vadd.s32 s26, v1  }
0x4e: {  	v3 =	vcvt.s32.f32 v3;
	_ =	sdelay $0x1  }
0x4f: {  	[tilespmem:v2+s7+$0x0] =	vst.idx.add.f32.msk vm10, v3  }
0x50: {  	v2 =	vld [tilespmem:s6+$0xFFFFFFF0]  }
0x51: {  	v3 =	vld [tilespmem:s6+$0xFFFFFFF1];
	_ =	sdelay $0x4  }
0x52: {  	vm11 =	vne.s32 v2, v3  }
0x53: {  	v2 =	vadd.s32 $0x10, v2  }
0x54: {  	s28 =	sadd.s32 $0xFFFFFFC0, s3  }
0x55: {  	v3 =	vadd.s32 s28, v1  }
0x56: {  	v3 =	vcvt.s32.f32 v3;
	_ =	sdelay $0x1  }
0x57: {  	[tilespmem:v2+s7+$0x0] =	vst.idx.add.f32.msk vm11, v3  }
0x58: {  	v2 =	vld [tilespmem:s6+$0x0]  }
0x59: {  	v3 =	vld [tilespmem:s6+$0x1];
	_ =	sdelay $0x4  }
0x5a: {  	vm12 =	vne.s32 v2, v3  }
0x5b: {  	v2 =	vadd.s32 $0x10, v2  }
0x5c: {  	s29 =	sadd.s32 $0xFFFFFFD0, s3  }
0x5d: {  	v3 =	vadd.s32 s29, v1  }
0x5e: {  	v3 =	vcvt.s32.f32 v3;
	_ =	sdelay $0x1  }
0x5f: {  	[tilespmem:v2+s7+$0x0] =	vst.idx.add.f32.msk vm12, v3  }
0x60: {  	v2 =	vld [tilespmem:s6+$0x10]  }
0x61: {  	v3 =	vld [tilespmem:s6+$0x11];
	_ =	sdelay $0x4  }
0x62: {  	vm13 =	vne.s32 v2, v3  }
0x63: {  	v2 =	vadd.s32 $0x10, v2  }
0x64: {  	s30 =	sadd.s32 $0xFFFFFFE0, s3  }
0x65: {  	v3 =	vadd.s32 s30, v1  }
0x66: {  	v3 =	vcvt.s32.f32 v3;
	_ =	sdelay $0x1  }
0x67: {  	[tilespmem:v2+s7+$0x0] =	vst.idx.add.f32.msk vm13, v3  }
0x68: {  	v2 =	vld [tilespmem:s6+$0x20]  }
0x69: {  	v3 =	vld [tilespmem:s6+$0x21];
	_ =	sdelay $0x4  }
0x6a: {  	vm14 =	vne.s32 v2, v3  }
0x6b: {  	v2 =	vadd.s32 $0x10, v2  }
0x6c: {  	s31 =	sadd.s32 $0xFFFFFFF0, s3  }
0x6d: {  	v3 =	vadd.s32 s31, v1  }
0x6e: {  	v3 =	vcvt.s32.f32 v3;
	_ =	sdelay $0x1  }
0x6f: {  	[tilespmem:v2+s7+$0x0] =	vst.idx.add.f32.msk vm14, v3  }
0x70: {  	v2 =	vld [tilespmem:s6+$0x30]  }
0x71: {  	v3 =	vld [tilespmem:s6+$0x31];
	_ =	sdelay $0x4  }
0x72: {  	s5 =	sadd.s32 $0x8, s5;
	vm15 =	vne.s32 v2, v3  }
0x73: {  	p1 =	slt.u32 s5, $0x78;
	v2 =	vadd.s32 $0x10, v2  }
.Ltmp0:
0x74: {  	_ = 	snop;
	(pc) =	sbr.rel @p1 .LBB2_1-.Ltmp0, $3  }
0x75: {  	v3 =	vadd.s32 s3, v1  }
0x76: {  	v3 =	vcvt.s32.f32 v3;
	_ =	sdelay $0x1  }
0x77: {  	s6 =	sadd.s32 $0x80, s6;
	s3 =	sadd.s32 $0x80, s3;
	[tilespmem:v2+s7+$0x0] =	vst.idx.add.f32.msk vm15, v3  }
0x78: {  	s3 =	simm.s32 $0x20;
	s5 =	simm.s32 $0x2200;
	s6 =	simm.s32 $0x2180  }
0x79: {  	[spmem:s2] =	stream.indirect.scatter.add.f32 [tilespmem:s6], [sflag:$0x3], $0x1, s5, s3, $0xb8;
	[tilespmem:$0x2618] =	vst v63  }
0x7a: {  	s5 =	simm.s32 $0x3  }
0x7b: {  	_ =	swait.ge [sflag:s5], $0x20  }
0x7c: {  	[sflag:s5] =	ssyncset.done $0x0  }
0x7d: {  	[sflag:s5] =	ssyncadd.s32 $0xFFFFFFE0  }
0x7e: {  	s28 =	simm.s32 $0x2288;
	[bflag:$0x0] =	sbarrier.arrive $0xFFFF  }
0x7f: {  	[tilespmem:s28], [sflag:$0x3] =	stream.linear.gather [spmem:s2], $0x80, $0x38;
	[tilespmem:$0x2618] =	vst v63  }
0x80: {  	_ =	swait.ge [sflag:s5], $0x80  }
0x81: {  	[sflag:s5] =	ssyncset.done $0x0  }
0x82: {  	[sflag:s5] =	ssyncadd.s32 $0xFFFFFF80  }
0x83: {  	v2 =	vld [tilespmem:$0x2298];
	_ =	sdelay $0x3  }
0x84: {  	v1 =	vld [tilespmem:$0x2288];
	[bflag:$0x0] =	sbarrier.arrive $0xFFFF  }
0x85: {  	(xrf0) =	vmax.scan.msk.f32 $0xffff, v2;
	_ =	sdelay $0x4  }
0x86: {  	v3 =	vimm.f32 $0.0e+00  }
0x87: {  	[tilespmem:$0x2308] =	vst v3;
	v5, _, _ =	vpop (xrf0)  }
0x88: {  	[tilespmem:$0x2309] =	vst v5  }
0x89: {  	v6 =	vld [tilespmem:$0x2308];
	_ =	sdelay $0x3  }
0x8a: {  	v5 =	vtrunc.f32 v5  }
0x8b: {  	v5 =	vcvt.f32.s32 v5;
	v6 =	vtrunc.f32 v6  }
0x8c: {  	v6 =	vcvt.f32.s32 v6  }
0x8d: {  	v5 =	vsub.s32 v5, v4  }
0x8e: {  	vm0 =	vgt.s32 v5, $0x0;
	v4 =	vsub.s32 v6, v4  }
0x8f: {  	v5 =	vnsel vm0, $0x0, v5;
	vm15 =	vgt.s32 v4, $0x0  }
0x90: {  	v5 =	vmin.u32 v5, $0x800;
	v6 =	vnsel vm15, $0x0, v4  }
0x91: {  	vm0 =	vlt.u32 v6, v5  }
0x92: {  	v4 =	vmpcnt.ones.xlane vm0;
	_ =	sdelay $0x1  }
0x93: {  	(v2sf) =	vpush v4, $0x0;
	_ =	sdelay $0xe  }
0x94: {  	s3 =	spop (v2sf)  }
0x95: {  	p1 =	slt.s32 s3, $0x1  }
.Ltmp1:
0x96: {  	_ = 	snop;
	(pc) =	sbr.rel @p1 .LBB2_12-.Ltmp1, $4  }
0x97: {  	s29 =	simm.s32 $0x2388;
	v4 =	vlaneseq.u32  }
0x98: {  	s30 =	simm.s32 $0x2398;
	v6 =	vmin.u32 v6, $0x800;
	[tilespmem:s29+$0x0] =	vst.msk vm0, v4  }
0x99: {  	s31 =	simm.s32 $0x23A8;
	[tilespmem:s30+$0x0] =	vst.msk vm0, v6  }
0x9a: {  	[tilespmem:s31+$0x0] =	vst.msk vm0, v5;
	v5 =	vimm.f32 $0.0e+00  }
.Ltmp2:
0x9b: {  	(pc) =	sbr.rel .LBB2_4-.Ltmp2, $2  }
0x9c: {  	_ =	sdelay $0x2  }
0x9d: {  	s6 =	simm.s32 $0x0;
	v5 =	vimm.f32 $0.0e+00  }
.LBB2_6:
0x9e: {  	v10 =	vimm.f32 $-3.000000010e+38;
	s11 =	smov.u32 s7  }
.LBB2_10:
0x9f: {  	v12 =	vld [tilespmem:s9+$0x0];
	s8 =	sadd.s32 @p2 $0x10, s11  }
0xa0: {  	s7 =	smov.u32 @p2 s8  }
0xa1: {  	v13 =	vor.u32 s7, v4  }
0xa2: {  	vm0 =	vge.s32 v13, v8;
	vm1 =	vlt.s32 v13, v9  }
0xa3: {  	v8 =	vmax.f32 @p2 v10, v11;
	vm0 =	vmand vm0, vm1  }
0xa4: {  	v7 =	vpsel p2, v8, v7;
	v9 =	vnsel vm0, $0xFF61B1E6, v12  }
0xa5: {  	v8 =	vmax.f32 v7, v9  }
.LBB2_11:
0xa6: {  	(xrf0) =	vmax.scan.msk.f32 $0xffff, v8;
	_ =	sdelay $0x5  }
0xa7: {  	v7, _, _ =	vpop (xrf0)  }
0xa8: {  	(v2sf) =	vpush v7, $0xF;
	_ =	sdelay $0xb  }
0xa9: {  	s6 =	sadd.s32 $0x1, s6  }
0xaa: {  	p2 =	sne.s32 s6, s3  }
.Ltmp3:
0xab: {  	_ = 	snop;
	(pc) =	sbr.rel @!p2 .LBB2_12-.Ltmp3, $4  }
0xac: {  	v6 =	vbroadcast v6, $0x0;
	s7 =	spop (v2sf)  }
0xad: {  	s7 =	sadd.f32 $1.024000000e+03, s7  }
0xae: {  	vm0 =	veq.s32 v6, v4  }
0xaf: {  	v5 =	vsel vm0, s7, v5  }
.LBB2_4:
0xb0: {  	v7 =	vld [tilespmem:s6+$0x2398]  }
0xb1: {  	v9 =	vld [tilespmem:s6+$0x23A8];
	_ =	sdelay $0x3  }
0xb2: {  	(v2sf) =	vpush v7, $0x0  }
0xb3: {  	(v2sf) =	vpush v9, $0x0;
	_ =	sdelay $0xd  }
0xb4: {  	s7 =	spop (v2sf)  }
0xb5: {  	s8 =	sshra.s32 s7, $0x1F;
	s9 =	spop (v2sf);
	s10 =	sand.u32 $0xF, s7  }
0xb6: {  	p2 =	slt.s32 s7, $0x1;
	s8 =	sshrl.u32 s8, $0x1C;
	s9 =	sadd.s32 $0xF, s9  }
0xb7: {  	p3 =	sne.s32 s10, $0x0;
	s10 =	simm.s32 $0x1;
	s8 =	sadd.s32 s8, s7  }
0xb8: {  	s29 =	sand.u32 $0xF, s9;
	p2 =	por !p2, !p3;
	p6 =	slt.s32 s9, $0x1  }
0xb9: {  	s31 =	sshra.s32 s9, $0x1F;
	p4 =	sne.s32 s29, $0x0;
	s30 =	sshra.s32 s8, $0x4  }
0xba: {  	p2 =	por !p2, !p2;
	s8 =	sshrl.u32 s31, $0x1C;
	p3 =	por !p6, !p4  }
0xbb: {  	s8 =	sadd.s32 s8, s9;
	s9 =	simm.s32 $0x1;
	p3 =	por !p3, !p3  }
0xbc: {  	s10 =	simm.s32 @!p2 $0x0;
	s8 =	sshra.s32 s8, $0x4;
	s9 =	simm.s32 @!p3 $0x0  }
0xbd: {  	s7 =	ssub.s32 s30, s10;
	s8 =	ssub.s32 s8, s9  }
0xbe: {  	p2 =	sge.s32 s7, s8  }
.Ltmp4:
0xbf: {  	_ = 	snop;
	(pc) =	sbr.rel @p2 .LBB2_11-.Ltmp4, $2  }
0xc0: {  	_ =	sdelay $0x2  }
0xc1: {  	v6 =	vld [tilespmem:s6+$0x2388];
	v8 =	vimm.f32 $-3.000000010e+38  }
0xc2: {  	s10 =	sadd.s32 $0x1, s7  }
0xc3: {  	p3 =	slt.s32 s10, s8  }
.Ltmp5:
0xc4: {  	_ = 	snop;
	(pc) =	sbr.rel @!p3 .LBB2_6-.Ltmp5, $3  }
0xc5: {  	_ =	sdelay $0x1  }
0xc6: {  	s9 =	sshll.u32 s7, $0x6  }
0xc7: {  	v8 =	vbroadcast v7, $0x0;
	v9 =	vbroadcast v9, $0x0;
	s7 =	sshll.u32 s7, $0x4;
	v7 =	vimm.f32 $-3.000000010e+38;
	p2 =	por $0x0, $0x0;
	s9 =	sshra.s32 s9, $0x2  }
0xc8: {  	s10 =	sadd.s32 $0x1, s10  }
0xc9: {  	v10 =	vld [tilespmem:s9+$0x0];
	p3 =	slt.s32 s10, s8  }
.Ltmp6:
0xca: {  	_ = 	snop;
	(pc) =	sbr.rel @!p3 .LBB2_8-.Ltmp6, $4  }
0xcb: {  	v11 =	vor.u32 s7, v4  }
0xcc: {  	vm0 =	vge.s32 v11, v8;
	vm1 =	vlt.s32 v11, v9  }
0xcd: {  	vm0 =	vmand vm0, vm1  }
0xce: {  	s9 =	sadd.s32 $0x10, s9;
	p2 =	por $0x1, $0x1;
	s11 =	smov.u32 s7;
	v11 =	vnsel vm0, $0xFF61B1E6, v10;
	v10 =	vimm.f32 $-3.000000010e+38  }
.LBB2_9:
0xcf: {  	s10 =	sadd.s32 $0x1, s10  }
0xd0: {  	v12 =	vld [tilespmem:s9+$0x0];
	v10 =	vmax.f32 v10, v11;
	s11 =	sadd.s32 $0x10, s11;
	p3 =	slt.s32 s10, s8  }
.Ltmp7:
0xd1: {  	(pc) =	sbr.rel @p3 .LBB2_9-.Ltmp7, $4  }
0xd2: {  	v11 =	vor.u32 s11, v4  }
0xd3: {  	vm0 =	vge.s32 v11, v8;
	vm1 =	vlt.s32 v11, v9  }
0xd4: {  	vm0 =	vmand vm0, vm1  }
0xd5: {  	s9 =	sadd.s32 $0x10, s9;
	v11 =	vnsel vm0, $0xFF61B1E6, v12  }
.Ltmp8:
0xd6: {  	_ = 	snop;
	(pc) =	sbr.rel .LBB2_10-.Ltmp8, $1  }
0xd7: {  	_ =	sdelay $0x3  }
.LBB2_8:
.Ltmp9:
0xd8: {  	(pc) =	sbr.rel .LBB2_10-.Ltmp9, $2  }
0xd9: {  	_ =	sdelay $0x2  }
0xda: {  	v10 =	vimm.f32 $-3.000000010e+38;
	s11 =	smov.u32 s7  }
.LBB2_12:
0xdb: {  	[tilespmem:$0x2518] =	vst v5  }
0xdc: {  	[tilespmem:$0x2598] =	vst v0;
	s6 =	simm.s32 $0x10;
	s7 =	simm.s32 $0x2598;
	s8 =	simm.s32 $0x2518  }
0xdd: {  	[spmem:s4] =	stream.indirect.scatter.add.f32 [tilespmem:s8], [sflag:$0x3], $0x1, s7, s6, $0xb8;
	[tilespmem:$0x2618] =	vst v63  }
0xde: {  	_ =	swait.ge [sflag:s5], $0x10  }
0xdf: {  	[sflag:s5] =	ssyncset.done $0x0  }
0xe0: {  	[sflag:s5] =	ssyncadd.s32 $0xFFFFFFF0  }
0xe1: {  	s31 =	simm.s32 $0x2418;
	[bflag:$0x0] =	sbarrier.arrive $0xFFFF  }
0xe2: {  	[tilespmem:s31], [sflag:$0x3] =	stream.linear.gather [spmem:s4], $0x100, $0x38;
	[tilespmem:$0x2618] =	vst v63  }
0xe3: {  	_ =	swait.ge [sflag:s5], $0x100  }
0xe4: {  	[sflag:s5] =	ssyncset.done $0x0  }
0xe5: {  	[sflag:s5] =	ssyncadd.s32 $0xFFFFFF00  }
0xe6: {  	v0 =	vld [tilespmem:$0x2418]  }
0xe7: {  	v4 =	vld [tilespmem:$0x2428]  }
0xe8: {  	v5 =	vld [tilespmem:$0x2438]  }
0xe9: {  	v6 =	vld [tilespmem:$0x2448]  }
0xea: {  	v7 =	vld [tilespmem:$0x2458]  }
0xeb: {  	v8 =	vld [tilespmem:$0x2468]  }
0xec: {  	v0 =	vmax.f32 v0, v4;
	v4 =	vld [tilespmem:$0x2478]  }
0xed: {  	v0 =	vmax.f32 v0, v5;
	v5 =	vld [tilespmem:$0x2488]  }
0xee: {  	v0 =	vmax.f32 v0, v6;
	v6 =	vld [tilespmem:$0x2498]  }
0xef: {  	v0 =	vmax.f32 v0, v7;
	v7 =	vld [tilespmem:$0x24A8]  }
0xf0: {  	v62 =	vld [tilespmem:$0x24B8];
	v0 =	vmax.f32 v0, v8  }
0xf1: {  	v0 =	vmax.f32 v0, v4;
	v4 =	vld [tilespmem:$0x24C8]  }
0xf2: {  	v0 =	vmax.f32 v0, v5;
	v5 =	vld [tilespmem:$0x24D8]  }
0xf3: {  	v0 =	vmax.f32 v0, v6;
	v6 =	vld [tilespmem:$0x24E8]  }
0xf4: {  	v0 =	vmax.f32 v0, v7;
	v7 =	vld [tilespmem:$0x24F8]  }
0xf5: {  	v63 =	vld [tilespmem:$0x2508];
	v0 =	vmax.f32 v0, v62  }
0xf6: {  	v0 =	vmax.f32 v0, v4  }
0xf7: {  	v0 =	vmax.f32 v0, v5  }
0xf8: {  	v0 =	vmax.f32 v0, v6  }
.Ltmp10:
0xf9: {  	v0 =	vmax.f32 v0, v7;
	(pc) =	sbr.rel @p1 .LBB2_20-.Ltmp10, $4  }
0xfa: {  	v0 =	vmax.f32 v0, v63  }
0xfb: {  	[tilespmem:$0x2180] =	vst v3;
	v0 =	vadd.f32 $-1.025000000e+03, v0  }
0xfc: {  	[tilespmem:$0x2190] =	vst v3  }
0xfd: {  	v4 =	vimm.s32 $0x0;
	v5 =	vimm.s32 $0x0;
	[tilespmem:$0x2100] =	vst v0;
	v0 =	vimm.s32 $0x0  }
.Ltmp11:
0xfe: {  	(pc) =	sbr.rel .LBB2_14-.Ltmp11, $3  }
0xff: {  	_ =	sdelay $0x1  }
0x100: {  	v3 =	vlaneseq.u32  }
0x101: {  	s6 =	simm.s32 $0x0;
	v6 =	vimm.s32 $0x0;
	s4 =	simm.s32 $0x2180;
	v4 =	vimm.s32 $0x0;
	v5 =	vimm.s32 $0x0;
	s5 =	simm.s32 $0x0  }
.LBB2_15:
0x102: {  	v8 =	vmov s6;
	v11 =	vimm.f32 $0.0e+00;
	s8 =	smov.u32 s6;
	v12 =	vimm.s32 $0x0  }
.LBB2_19:
0x103: {  	(xrf0) =	vadd.scan.msk.s32 $0xffff, v12;
	_ =	sdelay $0x5  }
0x104: {  	v9, _, _ =	vpop (xrf0)  }
0x105: {  	(v2sf) =	vpush v9, $0xF;
	_ =	sdelay $0x2  }
0x106: {  	(xrf2) =	vadd.scan.msk.f32 $0xffff, v11;
	_ =	sdelay $0x8  }
0x107: {  	v7 =	vbroadcast v7, $0x0  }
0x108: {  	s7 =	sadd.s32 $0x10, s7;
	v63 =	vmov s5;
	s5 =	sadd.s32 $0x1, s5;
	v62, _, _ =	vpop (xrf2)  }
0x109: {  	v10 =	vmov s7;
	p2 =	sne.s32 s5, s3;
	v9 =	vadd.f32 $0.0e+00, v62  }
.Ltmp12:
0x10a: {  	s31 =	spop (v2sf);
	(pc) =	sbr.rel @!p2 .LBB2_20-.Ltmp12, $3  }
0x10b: {  	v9 =	vbroadcast v9, $0xF;
	s7 =	scvt.s32.f32 s31;
	_ =	sdelay $0x1  }
0x10c: {  	vm0 =	veq.s32 v63, v3;
	[tilespmem:v7+s4+$0x0] =	vst.idx.add.f32.msk $0x1, v9;
	v7 =	vmov s7  }
0x10d: {  	v5 =	vsel vm0, s6, v5;
	v4 =	vsel vm0, v8, v4;
	s6 =	smov.u32 s8;
	[tilespmem:v10+s4+$0x0] =	vst.idx.add.f32.msk $0x1, v7  }
.LBB2_14:
0x10e: {  	v7 =	vld [tilespmem:s5+$0x2388]  }
0x10f: {  	v8 =	vld [tilespmem:s5+$0x2398]  }
0x110: {  	v9 =	vld [tilespmem:s5+$0x23A8];
	_ =	sdelay $0x2  }
0x111: {  	(v2sf) =	vpush v7, $0x0  }
0x112: {  	(v2sf) =	vpush v8, $0x0  }
0x113: {  	(v2sf) =	vpush v9, $0x0;
	_ =	sdelay $0xc  }
0x114: {  	s7 =	spop (v2sf)  }
0x115: {  	s8 =	spop (v2sf)  }
0x116: {  	s12 =	simm.s32 $0x1;
	s9 =	sshra.s32 s8, $0x1F;
	s10 =	spop (v2sf)  }
0x117: {  	s11 =	sand.u32 $0xF, s8;
	p2 =	slt.s32 s8, $0x1;
	s9 =	sshrl.u32 s9, $0x1C  }
0x118: {  	s10 =	sadd.s32 $0xF, s10;
	p3 =	sne.s32 s11, $0x0;
	s11 =	simm.s32 $0x1  }
0x119: {  	s9 =	sadd.s32 s9, s8;
	s29 =	sand.u32 $0xF, s10;
	p2 =	por !p2, !p3  }
0x11a: {  	p6 =	slt.s32 s10, $0x1;
	s31 =	sshra.s32 s10, $0x1F;
	p4 =	sne.s32 s29, $0x0  }
0x11b: {  	s30 =	sshra.s32 s9, $0x4;
	s9 =	sshrl.u32 s31, $0x1C;
	p3 =	por !p6, !p4  }
0x11c: {  	p2 =	por !p2, !p2;
	s9 =	sadd.s32 s9, s10;
	p3 =	por !p3, !p3  }
0x11d: {  	s11 =	simm.s32 @!p2 $0x0;
	s9 =	sshra.s32 s9, $0x4;
	s12 =	simm.s32 @!p3 $0x0  }
0x11e: {  	s10 =	ssub.s32 s30, s11;
	s8 =	ssub.s32 s9, s12  }
0x11f: {  	p2 =	sge.s32 s10, s8  }
.Ltmp13:
0x120: {  	_ = 	snop;
	(pc) =	sbr.rel @p2 .LBB2_15-.Ltmp13, $1  }
0x121: {  	_ =	sdelay $0x3  }
0x122: {  	v10 =	vld [tilespmem:s7+$0x2100];
	_ =	sdelay $0x1  }
0x123: {  	s9 =	sshll.u32 s10, $0x6  }
0x124: {  	s11 =	sshra.s32 s9, $0x2  }
0x125: {  	v13 =	vld [tilespmem:s11+$0x0]  }
0x126: {  	v10 =	vadd.f32 $0.0e+00, v10  }
0x127: {  	v8 =	vbroadcast v8, $0x0;
	v9 =	vbroadcast v9, $0x0;
	s9 =	sshll.u32 s10, $0x4  }
0x128: {  	v11 =	vor.u32 s9, v3;
	v10 =	vbroadcast v10, $0x0  }
0x129: {  	vm0 =	vge.s32 v11, v8;
	vm1 =	vlt.s32 v11, v9  }
0x12a: {  	vm0 =	vmand vm0, vm1;
	vm15 =	vgt.f32 v13, v10  }
0x12b: {  	vm0 =	vmand vm0, vm15  }
0x12c: {  	v14 =	vmpcnt.ones.xlane vm0;
	_ =	sdelay $0x1  }
0x12d: {  	s10 =	sadd.s32 $0x1, s10;
	(v2sf) =	vpush v14, $0x0  }
0x12e: {  	p2 =	slt.s32 s10, s8  }
.Ltmp14:
0x12f: {  	_ = 	snop;
	(pc) =	sbr.rel @!p2 .LBB2_18-.Ltmp14, $4  }
0x130: {  	_ = 	snop  }
0x131: {  	v12 =	vimm.s32 $0x0  }
0x132: {  	v11 =	vimm.f32 $0.0e+00;
	v15 =	vnsel vm0, $0x0, v13;
	v16 =	vsel vm0, $0x1, v6  }
0x133: {  	s12 =	sadd.s32 $0x10, s11;
	s11 =	smov.u32 s6;
	[tilespmem:s6+$0x1880] =	vst.msk vm0, v13;
	v11 =	vadd.f32 v15, v11;
	v12 =	vadd.s32 v16, v12  }
.LBB2_17:
0x134: {  	v13 =	vld [tilespmem:s12+$0x0];
	s10 =	sadd.s32 $0x1, s10  }
0x135: {  	p2 =	slt.s32 s10, s8  }
0x136: {  	s9 =	sadd.s32 $0x10, s9  }
0x137: {  	v14 =	vor.u32 s9, v3  }
0x138: {  	vm0 =	vge.s32 v14, v8;
	vm1 =	vlt.s32 v14, v9  }
0x139: {  	vm0 =	vmand vm0, vm1;
	vm1 =	vgt.f32 v13, v10  }
0x13a: {  	vm0 =	vmand vm0, vm1  }
0x13b: {  	v14 =	vnsel vm0, $0x0, v13;
	v15 =	vsel vm0, $0x1, v6;
	v16 =	vmpcnt.ones.xlane vm0  }
0x13c: {  	v11 =	vadd.f32 v14, v11;
	v12 =	vadd.s32 v15, v12;
	s13 =	spop (v2sf)  }
0x13d: {  	(v2sf) =	vpush v16, $0x0;
	s11 =	sadd.s32 s11, s13  }
0x13e: {  	[tilespmem:s11+$0x1880] =	vst.msk vm0, v13  }
.Ltmp15:
0x13f: {  	(pc) =	sbr.rel @p2 .LBB2_17-.Ltmp15, $2  }
0x140: {  	_ =	sdelay $0x2  }
0x141: {  	s12 =	sadd.s32 $0x10, s12  }
.LBB2_18:
0x142: {  	_ =	sdelay $0x5  }
.Ltmp16:
0x143: {  	_ = 	snop;
	(pc) =	sbr.rel .LBB2_19-.Ltmp16, $4  }
0x144: {  	_ = 	snop  }
0x145: {  	s8 =	spop (v2sf)  }
0x146: {  	s8 =	sadd.s32 s11, s8  }
0x147: {  	v8 =	vmov s8  }
.LBB2_20:
0x148: {  	[tilespmem:$0x23B8] =	vst v5;
	s4 =	simm.s32 $0x20  }
0x149: {  	[tilespmem:$0x23C8] =	vst v4;
	s5 =	simm.s32 $0x2200;
	s6 =	simm.s32 $0x2180;
	s7 =	simm.s32 $0x3  }
0x14a: {  	[spmem:s2] =	stream.indirect.scatter.add.f32 [tilespmem:s6], [sflag:$0x3], $0x1, s5, s4, $0xb8;
	[tilespmem:$0x2618] =	vst v63  }
0x14b: {  	_ =	swait.ge [sflag:s7], $0x20  }
0x14c: {  	[sflag:s7] =	ssyncset.done $0x0  }
0x14d: {  	[sflag:s7] =	ssyncadd.s32 $0xFFFFFFE0  }
0x14e: {  	s8 =	simm.s32 $0x2288;
	[bflag:$0x0] =	sbarrier.arrive $0xFFFF  }
0x14f: {  	[tilespmem:s8], [sflag:$0x3] =	stream.linear.gather [spmem:s2], $0x80, $0x38;
	[tilespmem:$0x2618] =	vst v63  }
0x150: {  	_ =	swait.ge [sflag:s7], $0x80  }
0x151: {  	[sflag:s7] =	ssyncset.done $0x0  }
0x152: {  	[sflag:s7] =	ssyncadd.s32 $0xFFFFFF80  }
0x153: {  	v3 =	vld [tilespmem:$0x2298];
	_ =	sdelay $0x4  }
0x154: {  	v2 =	vsub.f32 v3, v2;
	_ =	sdelay $0x1  }
0x155: {  	v2 =	vmax.f32 v2, $1.000000000e+00  }
0x156: {  	(erf) = vrcp.f32 v2  }
0x157: {  	v4 =	vld [tilespmem:$0x2288];
	_ =	sdelay $0x4  }
0x158: {  	v1 =	vsub.f32 v4, v1;
	_ =	sdelay $0x1  }
0x159: {  	v1 =	vadd.f32 $-1.000000000e+00, v1  }
0x15a: {  	v2 =	vpop (erf)  }
.Ltmp17:
0x15b: {  	v1 =	vmul.f32 v2, v1;
	(pc) =	sbr.rel .LBB2_21-.Ltmp17, $4  }
0x15c: {  	_ = 	snop  }
0x15d: {  	[tilespmem:$0x2100] =	vst v1  }
0x15e: {  	[bflag:$0x0] =	sbarrier.arrive $0xFFFF  }
0x15f: {  	s9 =	simm.s32 $0x0;
	v2 =	vlaneseq.u32;
	v1 =	vimm.f32 $0.0e+00  }
.LBB2_38:
0x160: {  	v5 =	vld [tilespmem:$0x2100];
	[spmem:s2] =	stream.indirect.scatter.add.f32 [tilespmem:s6], [sflag:$0x3], $0x1, s5, s4, $0xb8  }
0x161: {  	_ =	swait.ge [sflag:s7], $0x20  }
0x162: {  	[sflag:s7] =	ssyncset.done $0x0  }
0x163: {  	[sflag:s7] =	ssyncadd.s32 $0xFFFFFFE0  }
0x164: {  	[bflag:$0x0] =	sbarrier.arrive $0xFFFF  }
0x165: {  	[tilespmem:s8], [sflag:$0x3] =	stream.linear.gather [spmem:s2], $0x80, $0x38;
	[tilespmem:$0x2618] =	vst v63  }
0x166: {  	_ =	swait.ge [sflag:s7], $0x80  }
0x167: {  	[sflag:s7] =	ssyncset.done $0x0  }
0x168: {  	[sflag:s7] =	ssyncadd.s32 $0xFFFFFF80  }
0x169: {  	v6 =	vld [tilespmem:$0x2298];
	_ =	sdelay $0x4  }
0x16a: {  	v3 =	vsub.f32 v6, v3;
	_ =	sdelay $0x1  }
0x16b: {  	v3 =	vmax.f32 v3, $1.000000000e+00  }
0x16c: {  	(erf) = vrcp.f32 v3  }
0x16d: {  	v7 =	vld [tilespmem:$0x2288];
	_ =	sdelay $0x4  }
0x16e: {  	v3 =	vsub.f32 v7, v4;
	_ =	sdelay $0x1  }
0x16f: {  	v3 =	vadd.f32 $-1.000000000e+00, v3  }
0x170: {  	v4 =	vpop (erf)  }
0x171: {  	v3 =	vmul.f32 v4, v3;
	_ =	sdelay $0x1  }
0x172: {  	vm0 =	vlt.f32 v3, v5;
	vm1 =	vgt.f32 v3, v5  }
0x173: {  	vm0 =	vmor vm1, vm0  }
0x174: {  	v4 =	vsel vm0, $0x3F800000, v1  }
0x175: {  	(xrf0) =	vmax.scan.msk.f32 $0xffff, v4;
	_ =	sdelay $0x5  }
0x176: {  	v4, _, _ =	vpop (xrf0)  }
0x177: {  	(v2sf) =	vpush v4, $0xF;
	_ =	sdelay $0xe  }
0x178: {  	p2 =	sgt.u32 s9, $0x10;
	s10 =	spop (v2sf)  }
0x179: {  	p3 =	sgt.f32 @!p2 s10, $0.0e+00;
	_ =	sdelay $0x1  }
0x17a: {  	p2 =	por p2, !p3  }
.Ltmp18:
0x17b: {  	_ = 	snop;
	(pc) =	sbr.rel @p2 .LBB2_24-.Ltmp18, $4  }
0x17c: {  	_ = 	snop  }
0x17d: {  	[tilespmem:$0x2100] =	vst v3  }
0x17e: {  	[bflag:$0x0] =	sbarrier.arrive $0xFFFF  }
0x17f: {  	s9 =	sadd.s32 $0x1, s9;
	v3 =	vmov v6;
	v4 =	vmov v7  }
.LBB2_21:
.Ltmp19:
0x180: {  	(pc) =	sbr.rel @!p1 .LBB2_22-.Ltmp19, $4  }
.Ltmp20:
0x181: {  	(pc) =	sbr.rel @p1 .LBB2_38-.Ltmp20, $4  }
0x182: {  	_ = 	snop  }
0x183: {  	[tilespmem:$0x2180] =	vst v1  }
0x184: {  	[tilespmem:$0x2190] =	vst v1;
	s10 =	simm.s32 $0x0  }
0x185: {  	_ = 	snop  }
.LBB2_23:
0x186: {  	v7 =	vimm.s32 $0x0;
	v6 =	vimm.f32 $0.0e+00  }
.LBB2_37:
0x187: {  	(xrf0) =	vadd.scan.msk.s32 $0xffff, v7;
	_ =	sdelay $0x5  }
0x188: {  	v7, _, _ =	vpop (xrf0)  }
0x189: {  	(v2sf) =	vpush v7, $0xF;
	_ =	sdelay $0x2  }
0x18a: {  	(xrf2) =	vadd.scan.msk.f32 $0xffff, v6;
	_ =	sdelay $0x8  }
0x18b: {  	v5 =	vbroadcast v5, $0x0  }
0x18c: {  	s11 =	sadd.s32 $0x10, s11;
	s10 =	sadd.s32 $0x1, s10;
	v6, _, _ =	vpop (xrf2)  }
0x18d: {  	p2 =	sne.s32 s10, s3;
	v7 =	vmov s11;
	v6 =	vadd.f32 $0.0e+00, v6  }
.Ltmp21:
0x18e: {  	s31 =	spop (v2sf);
	(pc) =	sbr.rel @!p2 .LBB2_38-.Ltmp21, $3  }
0x18f: {  	v6 =	vbroadcast v6, $0xF;
	s11 =	scvt.s32.f32 s31;
	_ =	sdelay $0x1  }
0x190: {  	[tilespmem:v5+s6+$0x0] =	vst.idx.add.f32.msk $0x1, v6;
	v5 =	vmov s11  }
0x191: {  	[tilespmem:v7+s6+$0x0] =	vst.idx.add.f32.msk $0x1, v5  }
.LBB2_22:
0x192: {  	v5 =	vld [tilespmem:s10+$0x2388]  }
0x193: {  	v8 =	vld [tilespmem:s10+$0x23B8]  }
0x194: {  	v7 =	vld [tilespmem:s10+$0x23C8];
	_ =	sdelay $0x2  }
0x195: {  	(v2sf) =	vpush v5, $0x0  }
0x196: {  	(v2sf) =	vpush v8, $0x0  }
0x197: {  	(v2sf) =	vpush v7, $0x0;
	_ =	sdelay $0xc  }
0x198: {  	s11 =	spop (v2sf)  }
0x199: {  	s12 =	spop (v2sf)  }
0x19a: {  	s13 =	sshra.s32 s12, $0x1F;
	s14 =	spop (v2sf);
	s15 =	sand.u32 $0xF, s12  }
0x19b: {  	p2 =	slt.s32 s12, $0x1;
	s13 =	sshrl.u32 s13, $0x1C;
	s14 =	sadd.s32 $0xF, s14  }
0x19c: {  	p3 =	sne.s32 s15, $0x0;
	s15 =	simm.s32 $0x1;
	s13 =	sadd.s32 s13, s12  }
0x19d: {  	s29 =	sand.u32 $0xF, s14;
	p2 =	por !p2, !p3;
	p6 =	slt.s32 s14, $0x1  }
0x19e: {  	s31 =	sshra.s32 s14, $0x1F;
	p4 =	sne.s32 s29, $0x0;
	s30 =	sshra.s32 s13, $0x4  }
0x19f: {  	p2 =	por !p2, !p2;
	s13 =	sshrl.u32 s31, $0x1C;
	p3 =	por !p6, !p4  }
0x1a0: {  	s13 =	sadd.s32 s13, s14;
	s14 =	simm.s32 $0x1;
	p3 =	por !p3, !p3  }
0x1a1: {  	s15 =	simm.s32 @!p2 $0x0;
	s13 =	sshra.s32 s13, $0x4;
	s14 =	simm.s32 @!p3 $0x0  }
0x1a2: {  	s12 =	ssub.s32 s30, s15;
	s13 =	ssub.s32 s13, s14  }
0x1a3: {  	p2 =	sge.s32 s12, s13  }
.Ltmp22:
0x1a4: {  	_ = 	snop;
	(pc) =	sbr.rel @p2 .LBB2_23-.Ltmp22, $1  }
0x1a5: {  	_ =	sdelay $0x3  }
0x1a6: {  	v6 =	vld [tilespmem:s11+$0x2100];
	s14 =	sshll.u32 s12, $0x6  }
0x1a7: {  	s15 =	sshra.s32 s14, $0x2;
	s14 =	sadd.s32 $0x1, s12  }
0x1a8: {  	p3 =	slt.s32 s14, s13  }
.Ltmp23:
0x1a9: {  	_ = 	snop;
	(pc) =	sbr.rel @!p3 .LBB2_32-.Ltmp23, $4  }
0x1aa: {  	_ = 	snop  }
0x1ab: {  	v6 =	vadd.f32 $0.0e+00, v6  }
0x1ac: {  	v9 =	vbroadcast v8, $0x0;
	v10 =	vbroadcast v7, $0x0;
	s15 =	sadd.s32 $0x1880, s15  }
0x1ad: {  	v8 =	vimm.f32 $0.0e+00;
	v7 =	vimm.s32 $0x0;
	p2 =	por $0x0, $0x0;
	s12 =	sshll.u32 s12, $0x4;
	v14 =	vld [tilespmem:s15+$0x0];
	v6 =	vbroadcast v6, $0x0  }
0x1ae: {  	s14 =	sadd.s32 $0x1, s14  }
0x1af: {  	p3 =	slt.s32 s14, s13  }
.Ltmp24:
0x1b0: {  	v11 =	vor.u32 s12, v2;
	(pc) =	sbr.rel @!p3 .LBB2_34-.Ltmp24, $4  }
0x1b1: {  	vm0 =	vge.s32 v11, v9;
	vm1 =	vlt.s32 v11, v10  }
0x1b2: {  	vm0 =	vmand vm0, vm1;
	vm15 =	vgt.f32 v14, v6  }
0x1b3: {  	s16 =	sadd.s32 $0x10, s15;
	v12 =	vimm.s32 $0x0;
	vm0 =	vmand vm0, vm15  }
0x1b4: {  	p2 =	por $0x1, $0x1;
	s15 =	smov.u32 s12;
	v11 =	vimm.f32 $0.0e+00;
	v13 =	vnsel vm0, $0x0, v14;
	v14 =	vld [tilespmem:s16+$0x0];
	v15 =	vsel vm0, $0x1, v0  }
.LBB2_35:
0x1b5: {  	s14 =	sadd.s32 $0x1, s14  }
0x1b6: {  	v11 =	vadd.f32 v13, v11;
	v12 =	vadd.s32 v15, v12;
	s15 =	sadd.s32 $0x10, s15;
	p3 =	slt.s32 s14, s13  }
.Ltmp25:
0x1b7: {  	v15 =	vor.u32 s15, v2;
	(pc) =	sbr.rel @p3 .LBB2_35-.Ltmp25, $4  }
0x1b8: {  	vm0 =	vge.s32 v15, v9;
	vm1 =	vlt.s32 v15, v10  }
0x1b9: {  	s16 =	sadd.s32 $0x10, s16;
	vm0 =	vmand vm0, vm1;
	vm1 =	vgt.f32 v14, v6;
	v13 =	vmov v14  }
0x1ba: {  	v14 =	vld [tilespmem:s16+$0x0];
	vm0 =	vmand vm0, vm1  }
0x1bb: {  	v13 =	vnsel vm0, $0x0, v13;
	v15 =	vsel vm0, $0x1, v0  }
.LBB2_36:
0x1bc: {  	s13 =	sadd.s32 @p2 $0x10, s15  }
0x1bd: {  	s12 =	smov.u32 @p2 s13  }
0x1be: {  	v16 =	vor.u32 s12, v2  }
.Ltmp26:
0x1bf: {  	vm0 =	vge.s32 v16, v9;
	vm1 =	vlt.s32 v16, v10;
	vm15 =	vgt.f32 v14, v6;
	(pc) =	sbr.rel .LBB2_37-.Ltmp26, $4  }
0x1c0: {  	v6 =	vadd.f32 @p2 v13, v11;
	v9 =	vadd.s32 @p2 v15, v12;
	vm0 =	vmand vm0, vm1  }
0x1c1: {  	v7 =	vpsel p2, v9, v7;
	vm0 =	vmand vm0, vm15  }
0x1c2: {  	v6 =	vpsel p2, v6, v8;
	v62 =	vnsel vm0, $0x0, v14;
	v63 =	vsel vm0, $0x1, v0  }
0x1c3: {  	v6 =	vadd.f32 v62, v6;
	v7 =	vadd.s32 v63, v7  }
.LBB2_32:
.Ltmp27:
0x1c4: {  	(pc) =	sbr.rel .LBB2_36-.Ltmp27, $2  }
0x1c5: {  	_ =	sdelay $0x2  }
0x1c6: {  	v11 =	vimm.f32 $0.0e+00;
	v12 =	vimm.s32 $0x0;
	s15 =	smov.u32 s12  }
.LBB2_34:
.Ltmp28:
0x1c7: {  	(pc) =	sbr.rel .LBB2_36-.Ltmp28, $2  }
0x1c8: {  	_ =	sdelay $0x2  }
0x1c9: {  	v11 =	vimm.f32 $0.0e+00;
	v12 =	vimm.s32 $0x0;
	s15 =	smov.u32 s12  }
.LBB2_24:
0x1ca: {  	p1 =	sgt.s32 s3, $0x0  }
.Ltmp29:
0x1cb: {  	_ = 	snop;
	(pc) =	sbr.rel @!p1 .LBB2_30-.Ltmp29, $1  }
0x1cc: {  	_ =	sdelay $0x3  }
.Ltmp30:
0x1cd: {  	(pc) =	sbr.rel .LBB2_26-.Ltmp30, $2  }
0x1ce: {  	_ =	sdelay $0x2  }
0x1cf: {  	s2 =	simm.s32 $0x0;
	v0 =	vlaneseq.u32  }
.LBB2_29:
0x1d0: {  	s2 =	sadd.s32 $0x1, s2  }
0x1d1: {  	p1 =	sne.s32 s2, s3  }
.Ltmp31:
0x1d2: {  	_ = 	snop;
	(pc) =	sbr.rel @!p1 .LBB2_30-.Ltmp31, $1  }
0x1d3: {  	_ =	sdelay $0x3  }
.LBB2_26:
0x1d4: {  	v1 =	vld [tilespmem:s2+$0x2388]  }
0x1d5: {  	v2 =	vld [tilespmem:s2+$0x2398]  }
0x1d6: {  	v3 =	vld [tilespmem:s2+$0x23A8];
	_ =	sdelay $0x2  }
0x1d7: {  	(v2sf) =	vpush v1, $0x0  }
0x1d8: {  	(v2sf) =	vpush v2, $0x0  }
0x1d9: {  	(v2sf) =	vpush v3, $0x0;
	_ =	sdelay $0xc  }
0x1da: {  	s5 =	spop (v2sf)  }
0x1db: {  	s4 =	spop (v2sf)  }
0x1dc: {  	s9 =	simm.s32 $0x1;
	s6 =	sshra.s32 s4, $0x1F;
	s7 =	spop (v2sf)  }
0x1dd: {  	s8 =	sand.u32 $0xF, s4;
	p1 =	slt.s32 s4, $0x1;
	s6 =	sshrl.u32 s6, $0x1C  }
0x1de: {  	s7 =	sadd.s32 $0xF, s7;
	p2 =	sne.s32 s8, $0x0;
	s8 =	simm.s32 $0x1  }
0x1df: {  	s6 =	sadd.s32 s6, s4;
	s29 =	sand.u32 $0xF, s7;
	p1 =	por !p1, !p2  }
0x1e0: {  	p6 =	slt.s32 s7, $0x1;
	s31 =	sshra.s32 s7, $0x1F;
	p3 =	sne.s32 s29, $0x0  }
0x1e1: {  	s30 =	sshra.s32 s6, $0x4;
	s6 =	sshrl.u32 s31, $0x1C;
	p2 =	por !p6, !p3  }
0x1e2: {  	p1 =	por !p1, !p1;
	s6 =	sadd.s32 s6, s7;
	p2 =	por !p2, !p2  }
0x1e3: {  	s8 =	simm.s32 @!p1 $0x0;
	s6 =	sshra.s32 s6, $0x4;
	s9 =	simm.s32 @!p2 $0x0  }
0x1e4: {  	s7 =	ssub.s32 s30, s8;
	s4 =	ssub.s32 s6, s9  }
0x1e5: {  	p1 =	sge.s32 s7, s4  }
.Ltmp32:
0x1e6: {  	_ = 	snop;
	(pc) =	sbr.rel @p1 .LBB2_29-.Ltmp32, $1  }
0x1e7: {  	_ =	sdelay $0x3  }
0x1e8: {  	v1 =	vld [tilespmem:s5+$0x2100];
	_ =	sdelay $0x1  }
0x1e9: {  	s31 =	sshll.u32 s7, $0x6  }
0x1ea: {  	s8 =	sshra.s32 s31, $0x2  }
0x1eb: {  	v4 =	vld [tilespmem:s8+$0x0]  }
0x1ec: {  	v1 =	vadd.f32 $0.0e+00, v1  }
0x1ed: {  	s5 =	sadd.s32 $0x1080, s8  }
0x1ee: {  	s6 =	sshll.u32 s7, $0x4;
	s7 =	sadd.s32 $0x1, s7;
	v5 =	vld [tilespmem:s5+$0x0];
	v1 =	vbroadcast v1, $0x0  }
0x1ef: {  	v2 =	vbroadcast v2, $0x0;
	v3 =	vbroadcast v3, $0x0;
	p1 =	slt.s32 s7, s4  }
.Ltmp33:
0x1f0: {  	v6 =	vor.u32 s6, v0;
	v4 =	vsub.f32 v4, v1;
	(pc) =	sbr.rel @!p1 .LBB2_29-.Ltmp33, $4  }
0x1f1: {  	vm0 =	vge.s32 v6, v2;
	vm1 =	vlt.s32 v6, v3  }
0x1f2: {  	vm0 =	vmand vm0, vm1;
	v4 =	vmax.f32 v4, $0.0e+00  }
0x1f3: {  	v4 =	vsel vm0, v4, v5  }
0x1f4: {  	s8 =	sadd.s32 $0x10, s8;
	[tilespmem:s5+$0x0] =	vst v4  }
.LBB2_28:
0x1f5: {  	v4 =	vld [tilespmem:s8+$0x0];
	s7 =	sadd.s32 $0x1, s7  }
0x1f6: {  	p1 =	slt.s32 s7, s4  }
0x1f7: {  	s5 =	sadd.s32 $0x10, s5  }
0x1f8: {  	v5 =	vld [tilespmem:s5+$0x0]  }
0x1f9: {  	s6 =	sadd.s32 $0x10, s6  }
.Ltmp34:
0x1fa: {  	v6 =	vor.u32 s6, v0;
	v4 =	vsub.f32 v4, v1;
	(pc) =	sbr.rel @p1 .LBB2_28-.Ltmp34, $4  }
0x1fb: {  	vm0 =	vge.s32 v6, v2;
	vm1 =	vlt.s32 v6, v3  }
0x1fc: {  	vm0 =	vmand vm0, vm1;
	v4 =	vmax.f32 v4, $0.0e+00  }
0x1fd: {  	v4 =	vsel vm0, v4, v5  }
0x1fe: {  	s8 =	sadd.s32 $0x10, s8;
	[tilespmem:s5+$0x0] =	vst v4  }
.Ltmp35:
0x1ff: {  	_ = 	snop;
	(pc) =	sbr.rel .LBB2_29-.Ltmp35, $1  }
0x200: {  	_ =	sdelay $0x3  }
.LBB2_30:
0x201: {  	s2 =	simm.s32 $0x0;
	s3 =	simm.s32 $0x1080;
	s31 =	simm.s32 $0x3  }
0x202: {  	[hbm4b:s1+s2] =	stream.linear.scatter [tilespmem:s3], [sflag:$0x3], $0x800, $0x38;
	[tilespmem:$0x2618] =	vst v63  }
0x203: {  	_ =	swait.ge [sflag:s31], $0x800  }
0x204: {  	[sflag:s31] =	ssyncset.done $0x0  }
0x205: {  	[sflag:s31] =	ssyncadd.s32 $0xFFFFF800  }
0x206: {  	_ =	sfence.sel $0x180000  }
0x207: {  	[bflag:$0x0] =	sbarrier.arrive $0xFFFF  }
0x208: {  	_ =	strace $0x90000047  }
0x209: {  	s0 =	sadd.s32 @!p0 $0x100000, s0;
	[bflag:$0x2] =	sbarrier.arrive $0xFFFF  }
0x20a: {  	[sflag:s0] =	ssyncadd.tile.s32 @!p0 $0x1;
	_ =	shalt  }
.Lfunc_end2:
_tile_overlayer_lowered:
.L_overlay_start_2:
0x20b: {  	(tag) =	ssettag $0x2  }
0x20c: {  	s0 =	rddreg [dreg:$0x0];
	s2 =	stileid.u32  }
0x20d: {  	s1 =	rddreg [dreg:$0x1];
	p0 =	sne.s32 s2, $0x0  }
0x20e: {  	s3 =	rddreg [dreg:$0x2];
	[bflag:$0x3] =	sbarrier.arrive $0xFFFF;
	s2 =	simm.s32 @!p0 $0x1C03  }
0x20f: {  	[timem:s3], [sflag:s2] =	dma.local @!p0 [hbm:s0], s1  }
0x210: {  	s0 =	simm.s32 @!p0 $0x3  }
0x211: {  	_ =	swait.ge @!p0 [sflag:s0], s1  }
0x212: {  	s1 =	ssub.s32 @!p0 $0x0, s1;
	[sflag:s0] =	ssyncset.done @!p0 $0x0  }
0x213: {  	[sflag:s0] =	ssyncadd.s32 @!p0 s1  }
0x214: {  	[bflag:$0x3] =	sbarrier.arrive $0xFFFF  }
0x215: {  	_ =	shalt  }

</sc_bundles>
